<compile_context>
chip_gen: v7x
topology: tpu7x:2x2x1
jax: 0.10.2.dev20260603
libtpu: 0.0.44.dev20260713+nightly
codegen_flags: <defaults>
</compile_context>

<pallas_src>
import functools

import jax
import jax.numpy as jnp
from jax import lax
from jax.experimental import pallas as pl
from jax.experimental.pallas import tpu as pltpu
from jax.experimental.pallas import tpu_sc as plsc

D = 64
H = 8
OFF = 100000
NW = 32
CH = 128
NCH = 32
NBUF = 5
NCB = 2
L = 16


def _body(ids_hbm, table_hbm, out_hbm, idx_v, rows_v, comp_v, gsem, osem):
    wid = lax.axis_index("s") * 2 + lax.axis_index("c")
    pltpu.sync_copy(ids_hbm.at[wid], idx_v)

    offs = lax.rem(lax.iota(jnp.int32, L), H) * OFF

    def shift(j, _):
        for k in range(CH // L):
            sl = pl.ds(k * L, L)
            idx_v[j, sl] = idx_v[j, sl] + offs
        return 0

    lax.fori_loop(0, NCH, shift, 0)

    def g_copy(j, b):
        return pltpu.make_async_copy(table_hbm.at[idx_v.at[j]],
                                     rows_v.at[b], gsem.at[b])

    def o_copy(j, c):
        return pltpu.make_async_copy(comp_v.at[c], out_hbm.at[wid, j],
                                     osem.at[c])

    def compact(b, c):
        def row(i, _):
            for k in range(D // L):
                comp_v[c, i, pl.ds(k * L, L)] = rows_v[b, i, pl.ds(k * L, L)]
            return 0

        lax.fori_loop(0, CH, row, 0)

    for b in range(NBUF):
        g_copy(b, b).start()

    def main(j, _):
        b = lax.rem(j, NBUF)
        c = lax.rem(j, NCB)
        g_copy(j, b).wait()

        @pl.when(j >= NCB)
        def _():
            o_copy(j - NCB, c).wait()

        compact(b, c)

        @pl.when(j + NBUF < NCH)
        def _():
            g_copy(j + NBUF, b).start()

        o_copy(j, c).start()
        return 0

    lax.fori_loop(0, NCH, main, 0)

    def drain(j, _):
        o_copy(j, lax.rem(j, NCB)).wait()
        return 0

    lax.fori_loop(NCH - NCB, NCH, drain, 0)


def kernel(input_ids, vocab_table):
    ids = input_ids.reshape(NW, NCH, CH)
    tbl = jnp.pad(vocab_table, ((0, 0), (0, 2 * D - vocab_table.shape[1])))
    mesh = plsc.VectorSubcoreMesh(core_axis_name="c", subcore_axis_name="s")
    out = pl.kernel(
        _body,
        out_type=jax.ShapeDtypeStruct((NW, NCH, CH, D), jnp.float32),
        mesh=mesh,
        scratch_types=[
            pltpu.VMEM((NCH, CH), jnp.int32),
            pltpu.VMEM((NBUF, CH, 2 * D), jnp.float32),
            pltpu.VMEM((NCB, CH, D), jnp.float32),
            pltpu.SemaphoreType.DMA((NBUF,)),
            pltpu.SemaphoreType.DMA((NCB,)),
        ],
        compiler_params=pltpu.CompilerParams(use_tc_tiling_on_sc=True),
    )(ids, tbl)
    return out.reshape(input_ids.shape + (D,))

# --- scband reference (transcript-rebuilt; emitter-appended) ---
"""Pipeline reference for scband-multi-head-embedding-67568425500902 (READ-ONLY COPY).

The authoritative reference and input builder live on the scoring server;
editing this copy changes nothing except your own understanding.
"""

import jax, jax.numpy as jnp
import numpy as np

LIST_OF_N = [100000] * 8
D = 64
TOTAL_N = sum(LIST_OF_N)


def _offsets():
    offs = np.concatenate([[0], np.cumsum(np.asarray(LIST_OF_N[:-1], dtype=np.int64))])
    return jnp.asarray(offs, dtype=jnp.int32)


def setup_inputs(seed: int = 0) -> dict:
    key = jax.random.key(seed)
    k1, k2 = jax.random.split(key)
    input_ids = jax.random.randint(k1, (4, 4096, 8), 0, 100000, dtype=jnp.int32)
    vocab_table = jax.random.normal(k2, (TOTAL_N, D), dtype=jnp.float32) * 0.02
    return {"input_ids": input_ids, "vocab_table": vocab_table}


def reference(input_ids, vocab_table):
    # MultiHeadEmbedding.forward: shift each head's ids into its row range of the
    # fused table, then gather (store.get_many == embedding lookup).
    offsets = _offsets()  # [num_heads]
    shifted_input_ids = input_ids + offsets  # broadcast over last (head) dim
    output = jnp.take(vocab_table, shifted_input_ids, axis=0)  # [B, S, H, D]
    return output

if __name__ == "__main__":
    import jax
    _d = setup_inputs()
    print(jax.jit(kernel)(*tuple(_d.values())))

</pallas_src>

<mosaic_0001>
#map = affine_map<(d0, d1) -> (0, 0, 0)>
#map1 = affine_map<(d0, d1) -> (0, 0)>
#map2 = affine_map<(d0, d1) -> (0, 0, 0, 0)>
module attributes {stable_mosaic.version = 14 : i64} {
  func.func @_body(%arg0: i32, %arg1: i32, %arg2: memref<32x32x128xi32, #tpu.memory_space<hbm>>, %arg3: memref<800000x128xf32, #tpu.memory_space<hbm>>, %arg4: memref<32x32x128x64xf32, #tpu.memory_space<hbm>>, %arg5: memref<32x128xi32, #tpu.memory_space<vmem>>, %arg6: memref<5x128x128xf32, #tpu.memory_space<vmem>>, %arg7: memref<2x128x64xf32, #tpu.memory_space<vmem>>, %arg8: memref<5x!tpu.dma_semaphore, #tpu.memory_space<semaphore_mem>>, %arg9: memref<2x!tpu.dma_semaphore, #tpu.memory_space<semaphore_mem>>) attributes {dimension_semantics = [#tpu.dimension_semantics<core_parallel>, #tpu.dimension_semantics<subcore_parallel>], iteration_bounds = array<i64: 2, 16>, scalar_prefetch = 0 : i64, scratch_operands = 5 : i64, tpu.core_type = #tpu.core_type<sc_vector_subcore>, window_params = [{transform_indices = #map}, {transform_indices = #map1}, {transform_indices = #map2}]} {
    %mul3A = arith.constant 2 : i32
    %mul3A_0 = arith.muli %arg1, %mul3A : i32
    %add3A = arith.addi %mul3A_0, %arg0 : i32
    "tpu.region"() ({
      %run_scoped3A = tpu.sem_alloc : memref<!tpu.dma_semaphore, #tpu.memory_space<semaphore_mem>>
      %dma_start3A_100 = arith.constant 0 : i32
      %dma_start3A_101 = arith.constant 0 : i32
      %dma_start3A_102 = tpu.memref_slice %arg2[%add3A, %dma_start3A_100, %dma_start3A_101] : memref<32x32x128xi32, #tpu.memory_space<hbm>> -> memref<1x32x128xi32, #tpu.memory_space<hbm>>
      %dma_start3A_103 = tpu.memref_squeeze %dma_start3A_102 : memref<1x32x128xi32, #tpu.memory_space<hbm>> -> memref<32x128xi32, #tpu.memory_space<hbm>>
      %dma_start3A_104 = arith.constant 0 : i32
      %dma_start3A_105 = arith.constant 0 : i32
      %dma_start3A_106 = tpu.memref_slice %arg2[%add3A, %dma_start3A_104, %dma_start3A_105] : memref<32x32x128xi32, #tpu.memory_space<hbm>> -> memref<1x32x128xi32, #tpu.memory_space<hbm>>
      %dma_start3A_107 = tpu.memref_squeeze %dma_start3A_106 : memref<1x32x128xi32, #tpu.memory_space<hbm>> -> memref<32x128xi32, #tpu.memory_space<hbm>>
      tpu.enqueue_dma source(%dma_start3A_107 : memref<32x128xi32, #tpu.memory_space<hbm>>) target(%arg5 : memref<32x128xi32, #tpu.memory_space<vmem>>) target_semaphore(%run_scoped3A : memref<!tpu.dma_semaphore, #tpu.memory_space<semaphore_mem>>)
      %dma_wait3A = arith.constant 0 : i32
      %dma_wait3A_108 = arith.constant 0 : i32
      %dma_wait3A_109 = tpu.memref_slice %arg2[%add3A, %dma_wait3A, %dma_wait3A_108] : memref<32x32x128xi32, #tpu.memory_space<hbm>> -> memref<1x32x128xi32, #tpu.memory_space<hbm>>
      %dma_wait3A_110 = tpu.memref_squeeze %dma_wait3A_109 : memref<1x32x128xi32, #tpu.memory_space<hbm>> -> memref<32x128xi32, #tpu.memory_space<hbm>>
      %dma_wait3A_111 = arith.constant 0 : i32
      %dma_wait3A_112 = arith.constant 0 : i32
      %dma_wait3A_113 = tpu.memref_slice %arg2[%add3A, %dma_wait3A_111, %dma_wait3A_112] : memref<32x32x128xi32, #tpu.memory_space<hbm>> -> memref<1x32x128xi32, #tpu.memory_space<hbm>>
      %dma_wait3A_114 = tpu.memref_squeeze %dma_wait3A_113 : memref<1x32x128xi32, #tpu.memory_space<hbm>> -> memref<32x128xi32, #tpu.memory_space<hbm>>
      tpu.wait_dma2 semaphore(%run_scoped3A : memref<!tpu.dma_semaphore, #tpu.memory_space<semaphore_mem>>) src(%dma_wait3A_114 : memref<32x128xi32, #tpu.memory_space<hbm>>) dst(%arg5 : memref<32x128xi32, #tpu.memory_space<vmem>>)
      tpu.yield
    }) : () -> ()
    %iota3A = tpu.iota {dimensions = array<i32: 0>} : vector<16xi32>
    %rem3A = arith.constant 8 : i32
    %rem3A_1 = vector.broadcast %rem3A : i32 to vector<16xi32>
    %rem3A_2 = arith.remsi %iota3A, %rem3A_1 : vector<16xi32>
    %mul3A_3 = arith.constant 100000 : i32
    %mul3A_4 = vector.broadcast %mul3A_3 : i32 to vector<16xi32>
    %mul3A_5 = arith.muli %rem3A_2, %mul3A_4 : vector<16xi32>
    %scan3A = arith.constant 0 : i32
    %scan3A_6 = arith.constant 0 : i32
    %scan3A_7 = arith.constant 32 : i32
    %scan3A_8 = arith.addi %scan3A_6, %scan3A_7 : i32
    %scan3A_9 = arith.constant 1 : i32
    %scan3A_10 = scf.for %scan3A_100 = %scan3A_6 to %scan3A_8 step %scan3A_9 iter_args(%scan3A_101 = %scan3A) -> (i32)  : i32 {
      %get3A = arith.index_cast %scan3A_100 : i32 to index
      %get3A_102 = arith.constant 0 : index
      %get3A_103 = tpu.vector_load %arg5[%get3A, %get3A_102] {strides = array<i32>} : memref<32x128xi32, #tpu.memory_space<vmem>>, vector<1x16xi32>,
      %get3A_104 = vector.shape_cast %get3A_103 : vector<1x16xi32> to vector<16xi32>
      %add3A_105 = arith.addi %get3A_104, %mul3A_5 : vector<16xi32>
      %swap3A = arith.index_cast %scan3A_100 : i32 to index
      %swap3A_106 = arith.constant 0 : index
      %swap3A_107 = tpu.vector_load %arg5[%swap3A, %swap3A_106] {strides = array<i32>} : memref<32x128xi32, #tpu.memory_space<vmem>>, vector<1x16xi32>,
      %swap3A_108 = vector.shape_cast %swap3A_107 : vector<1x16xi32> to vector<16xi32>
      %swap3A_109 = vector.shape_cast %add3A_105 : vector<16xi32> to vector<1x16xi32>
      tpu.vector_store %arg5[%swap3A, %swap3A_106], %swap3A_109 {strides = array<i32>} : memref<32x128xi32, #tpu.memory_space<vmem>>, vector<1x16xi32>,
      %get3A_110 = arith.index_cast %scan3A_100 : i32 to index
      %get3A_111 = arith.constant 16 : index
      %get3A_112 = tpu.vector_load %arg5[%get3A_110, %get3A_111] {strides = array<i32>} : memref<32x128xi32, #tpu.memory_space<vmem>>, vector<1x16xi32>,
      %get3A_113 = vector.shape_cast %get3A_112 : vector<1x16xi32> to vector<16xi32>
      %add3A_114 = arith.addi %get3A_113, %mul3A_5 : vector<16xi32>
      %swap3A_115 = arith.index_cast %scan3A_100 : i32 to index
      %swap3A_116 = arith.constant 16 : index
      %swap3A_117 = tpu.vector_load %arg5[%swap3A_115, %swap3A_116] {strides = array<i32>} : memref<32x128xi32, #tpu.memory_space<vmem>>, vector<1x16xi32>,
      %swap3A_118 = vector.shape_cast %swap3A_117 : vector<1x16xi32> to vector<16xi32>
      %swap3A_119 = vector.shape_cast %add3A_114 : vector<16xi32> to vector<1x16xi32>
      tpu.vector_store %arg5[%swap3A_115, %swap3A_116], %swap3A_119 {strides = array<i32>} : memref<32x128xi32, #tpu.memory_space<vmem>>, vector<1x16xi32>,
      %get3A_120 = arith.index_cast %scan3A_100 : i32 to index
      %get3A_121 = arith.constant 32 : index
      %get3A_122 = tpu.vector_load %arg5[%get3A_120, %get3A_121] {strides = array<i32>} : memref<32x128xi32, #tpu.memory_space<vmem>>, vector<1x16xi32>,
      %get3A_123 = vector.shape_cast %get3A_122 : vector<1x16xi32> to vector<16xi32>
      %add3A_124 = arith.addi %get3A_123, %mul3A_5 : vector<16xi32>
      %swap3A_125 = arith.index_cast %scan3A_100 : i32 to index
      %swap3A_126 = arith.constant 32 : index
      %swap3A_127 = tpu.vector_load %arg5[%swap3A_125, %swap3A_126] {strides = array<i32>} : memref<32x128xi32, #tpu.memory_space<vmem>>, vector<1x16xi32>,
      %swap3A_128 = vector.shape_cast %swap3A_127 : vector<1x16xi32> to vector<16xi32>
      %swap3A_129 = vector.shape_cast %add3A_124 : vector<16xi32> to vector<1x16xi32>
      tpu.vector_store %arg5[%swap3A_125, %swap3A_126], %swap3A_129 {strides = array<i32>} : memref<32x128xi32, #tpu.memory_space<vmem>>, vector<1x16xi32>,
      %get3A_130 = arith.index_cast %scan3A_100 : i32 to index
      %get3A_131 = arith.constant 48 : index
      %get3A_132 = tpu.vector_load %arg5[%get3A_130, %get3A_131] {strides = array<i32>} : memref<32x128xi32, #tpu.memory_space<vmem>>, vector<1x16xi32>,
      %get3A_133 = vector.shape_cast %get3A_132 : vector<1x16xi32> to vector<16xi32>
      %add3A_134 = arith.addi %get3A_133, %mul3A_5 : vector<16xi32>
      %swap3A_135 = arith.index_cast %scan3A_100 : i32 to index
      %swap3A_136 = arith.constant 48 : index
      %swap3A_137 = tpu.vector_load %arg5[%swap3A_135, %swap3A_136] {strides = array<i32>} : memref<32x128xi32, #tpu.memory_space<vmem>>, vector<1x16xi32>,
      %swap3A_138 = vector.shape_cast %swap3A_137 : vector<1x16xi32> to vector<16xi32>
      %swap3A_139 = vector.shape_cast %add3A_134 : vector<16xi32> to vector<1x16xi32>
      tpu.vector_store %arg5[%swap3A_135, %swap3A_136], %swap3A_139 {strides = array<i32>} : memref<32x128xi32, #tpu.memory_space<vmem>>, vector<1x16xi32>,
      %get3A_140 = arith.index_cast %scan3A_100 : i32 to index
      %get3A_141 = arith.constant 64 : index
      %get3A_142 = tpu.vector_load %arg5[%get3A_140, %get3A_141] {strides = array<i32>} : memref<32x128xi32, #tpu.memory_space<vmem>>, vector<1x16xi32>,
      %get3A_143 = vector.shape_cast %get3A_142 : vector<1x16xi32> to vector<16xi32>
      %add3A_144 = arith.addi %get3A_143, %mul3A_5 : vector<16xi32>
      %swap3A_145 = arith.index_cast %scan3A_100 : i32 to index
      %swap3A_146 = arith.constant 64 : index
      %swap3A_147 = tpu.vector_load %arg5[%swap3A_145, %swap3A_146] {strides = array<i32>} : memref<32x128xi32, #tpu.memory_space<vmem>>, vector<1x16xi32>,
      %swap3A_148 = vector.shape_cast %swap3A_147 : vector<1x16xi32> to vector<16xi32>
      %swap3A_149 = vector.shape_cast %add3A_144 : vector<16xi32> to vector<1x16xi32>
      tpu.vector_store %arg5[%swap3A_145, %swap3A_146], %swap3A_149 {strides = array<i32>} : memref<32x128xi32, #tpu.memory_space<vmem>>, vector<1x16xi32>,
      %get3A_150 = arith.index_cast %scan3A_100 : i32 to index
      %get3A_151 = arith.constant 80 : index
      %get3A_152 = tpu.vector_load %arg5[%get3A_150, %get3A_151] {strides = array<i32>} : memref<32x128xi32, #tpu.memory_space<vmem>>, vector<1x16xi32>,
      %get3A_153 = vector.shape_cast %get3A_152 : vector<1x16xi32> to vector<16xi32>
      %add3A_154 = arith.addi %get3A_153, %mul3A_5 : vector<16xi32>
      %swap3A_155 = arith.index_cast %scan3A_100 : i32 to index
      %swap3A_156 = arith.constant 80 : index
      %swap3A_157 = tpu.vector_load %arg5[%swap3A_155, %swap3A_156] {strides = array<i32>} : memref<32x128xi32, #tpu.memory_space<vmem>>, vector<1x16xi32>,
      %swap3A_158 = vector.shape_cast %swap3A_157 : vector<1x16xi32> to vector<16xi32>
      %swap3A_159 = vector.shape_cast %add3A_154 : vector<16xi32> to vector<1x16xi32>
      tpu.vector_store %arg5[%swap3A_155, %swap3A_156], %swap3A_159 {strides = array<i32>} : memref<32x128xi32, #tpu.memory_space<vmem>>, vector<1x16xi32>,
      %get3A_160 = arith.index_cast %scan3A_100 : i32 to index
      %get3A_161 = arith.constant 96 : index
      %get3A_162 = tpu.vector_load %arg5[%get3A_160, %get3A_161] {strides = array<i32>} : memref<32x128xi32, #tpu.memory_space<vmem>>, vector<1x16xi32>,
      %get3A_163 = vector.shape_cast %get3A_162 : vector<1x16xi32> to vector<16xi32>
      %add3A_164 = arith.addi %get3A_163, %mul3A_5 : vector<16xi32>
      %swap3A_165 = arith.index_cast %scan3A_100 : i32 to index
      %swap3A_166 = arith.constant 96 : index
      %swap3A_167 = tpu.vector_load %arg5[%swap3A_165, %swap3A_166] {strides = array<i32>} : memref<32x128xi32, #tpu.memory_space<vmem>>, vector<1x16xi32>,
      %swap3A_168 = vector.shape_cast %swap3A_167 : vector<1x16xi32> to vector<16xi32>
      %swap3A_169 = vector.shape_cast %add3A_164 : vector<16xi32> to vector<1x16xi32>
      tpu.vector_store %arg5[%swap3A_165, %swap3A_166], %swap3A_169 {strides = array<i32>} : memref<32x128xi32, #tpu.memory_space<vmem>>, vector<1x16xi32>,
      %get3A_170 = arith.index_cast %scan3A_100 : i32 to index
      %get3A_171 = arith.constant 112 : index
      %get3A_172 = tpu.vector_load %arg5[%get3A_170, %get3A_171] {strides = array<i32>} : memref<32x128xi32, #tpu.memory_space<vmem>>, vector<1x16xi32>,
      %get3A_173 = vector.shape_cast %get3A_172 : vector<1x16xi32> to vector<16xi32>
      %add3A_174 = arith.addi %get3A_173, %mul3A_5 : vector<16xi32>
      %swap3A_175 = arith.index_cast %scan3A_100 : i32 to index
      %swap3A_176 = arith.constant 112 : index
      %swap3A_177 = tpu.vector_load %arg5[%swap3A_175, %swap3A_176] {strides = array<i32>} : memref<32x128xi32, #tpu.memory_space<vmem>>, vector<1x16xi32>,
      %swap3A_178 = vector.shape_cast %swap3A_177 : vector<1x16xi32> to vector<16xi32>
      %swap3A_179 = vector.shape_cast %add3A_174 : vector<16xi32> to vector<1x16xi32>
      tpu.vector_store %arg5[%swap3A_175, %swap3A_176], %swap3A_179 {strides = array<i32>} : memref<32x128xi32, #tpu.memory_space<vmem>>, vector<1x16xi32>,
      %scan3A_180 = arith.constant 0 : i32
      scf.yield %scan3A_180 : i32
    }
    %scan3A_11 = arith.constant 32 : i32
    %dma_start3A = arith.constant 0 : i32
    %dma_start3A_12 = arith.constant 0 : i32
    %dma_start3A_13 = arith.constant 0 : i32
    %dma_start3A_14 = arith.constant 0 : i32
    %dma_start3A_15 = arith.constant 0 : i32
    %dma_start3A_16 = tpu.memref_slice %arg6[%dma_start3A_12, %dma_start3A_14, %dma_start3A_15] : memref<5x128x128xf32, #tpu.memory_space<vmem>> -> memref<1x128x128xf32, #tpu.memory_space<vmem>>
    %dma_start3A_17 = tpu.memref_squeeze %dma_start3A_16 : memref<1x128x128xf32, #tpu.memory_space<vmem>> -> memref<128x128xf32, #tpu.memory_space<vmem>>
    %dma_start3A_18 = arith.constant 0 : i32
    %dma_start3A_19 = tpu.memref_slice %arg5[%dma_start3A, %dma_start3A_18] : memref<32x128xi32, #tpu.memory_space<vmem>> -> memref<1x128xi32, #tpu.memory_space<vmem>>
    %dma_start3A_20 = tpu.memref_squeeze %dma_start3A_19 : memref<1x128xi32, #tpu.memory_space<vmem>> -> memref<128xi32, #tpu.memory_space<vmem>>
    %dma_start3A_21 = arith.constant 0 : i32
    %dma_start3A_22 = arith.constant 0 : i32
    %dma_start3A_23 = tpu.memref_slice %arg3[%dma_start3A_21, %dma_start3A_22] : memref<800000x128xf32, #tpu.memory_space<hbm>> -> memref<800000x128xf32, #tpu.memory_space<hbm>>
    %dma_start3A_24 = tpu.memref_slice %arg8[%dma_start3A_13] : memref<5x!tpu.dma_semaphore, #tpu.memory_space<semaphore_mem>> -> memref<1x!tpu.dma_semaphore, #tpu.memory_space<semaphore_mem>>
    %dma_start3A_25 = tpu.memref_squeeze %dma_start3A_24 : memref<1x!tpu.dma_semaphore, #tpu.memory_space<semaphore_mem>> -> memref<!tpu.dma_semaphore, #tpu.memory_space<semaphore_mem>>
    tpu.enqueue_indirect_dma source(%dma_start3A_23 : memref<800000x128xf32, #tpu.memory_space<hbm>>) target(%dma_start3A_17 : memref<128x128xf32, #tpu.memory_space<vmem>>) offsets(%dma_start3A_20 : memref<128xi32, #tpu.memory_space<vmem>>) semaphore(%dma_start3A_25 : memref<!tpu.dma_semaphore, #tpu.memory_space<semaphore_mem>>)
    %dma_start3A_26 = arith.constant 1 : i32
    %dma_start3A_27 = arith.constant 1 : i32
    %dma_start3A_28 = arith.constant 1 : i32
    %dma_start3A_29 = arith.constant 0 : i32
    %dma_start3A_30 = arith.constant 0 : i32
    %dma_start3A_31 = tpu.memref_slice %arg6[%dma_start3A_27, %dma_start3A_29, %dma_start3A_30] : memref<5x128x128xf32, #tpu.memory_space<vmem>> -> memref<1x128x128xf32, #tpu.memory_space<vmem>>
    %dma_start3A_32 = tpu.memref_squeeze %dma_start3A_31 : memref<1x128x128xf32, #tpu.memory_space<vmem>> -> memref<128x128xf32, #tpu.memory_space<vmem>>
    %dma_start3A_33 = arith.constant 0 : i32
    %dma_start3A_34 = tpu.memref_slice %arg5[%dma_start3A_26, %dma_start3A_33] : memref<32x128xi32, #tpu.memory_space<vmem>> -> memref<1x128xi32, #tpu.memory_space<vmem>>
    %dma_start3A_35 = tpu.memref_squeeze %dma_start3A_34 : memref<1x128xi32, #tpu.memory_space<vmem>> -> memref<128xi32, #tpu.memory_space<vmem>>
    %dma_start3A_36 = arith.constant 0 : i32
    %dma_start3A_37 = arith.constant 0 : i32
    %dma_start3A_38 = tpu.memref_slice %arg3[%dma_start3A_36, %dma_start3A_37] : memref<800000x128xf32, #tpu.memory_space<hbm>> -> memref<800000x128xf32, #tpu.memory_space<hbm>>
    %dma_start3A_39 = tpu.memref_slice %arg8[%dma_start3A_28] : memref<5x!tpu.dma_semaphore, #tpu.memory_space<semaphore_mem>> -> memref<1x!tpu.dma_semaphore, #tpu.memory_space<semaphore_mem>>
    %dma_start3A_40 = tpu.memref_squeeze %dma_start3A_39 : memref<1x!tpu.dma_semaphore, #tpu.memory_space<semaphore_mem>> -> memref<!tpu.dma_semaphore, #tpu.memory_space<semaphore_mem>>
    tpu.enqueue_indirect_dma source(%dma_start3A_38 : memref<800000x128xf32, #tpu.memory_space<hbm>>) target(%dma_start3A_32 : memref<128x128xf32, #tpu.memory_space<vmem>>) offsets(%dma_start3A_35 : memref<128xi32, #tpu.memory_space<vmem>>) semaphore(%dma_start3A_40 : memref<!tpu.dma_semaphore, #tpu.memory_space<semaphore_mem>>)
    %dma_start3A_41 = arith.constant 2 : i32
    %dma_start3A_42 = arith.constant 2 : i32
    %dma_start3A_43 = arith.constant 2 : i32
    %dma_start3A_44 = arith.constant 0 : i32
    %dma_start3A_45 = arith.constant 0 : i32
    %dma_start3A_46 = tpu.memref_slice %arg6[%dma_start3A_42, %dma_start3A_44, %dma_start3A_45] : memref<5x128x128xf32, #tpu.memory_space<vmem>> -> memref<1x128x128xf32, #tpu.memory_space<vmem>>
    %dma_start3A_47 = tpu.memref_squeeze %dma_start3A_46 : memref<1x128x128xf32, #tpu.memory_space<vmem>> -> memref<128x128xf32, #tpu.memory_space<vmem>>
    %dma_start3A_48 = arith.constant 0 : i32
    %dma_start3A_49 = tpu.memref_slice %arg5[%dma_start3A_41, %dma_start3A_48] : memref<32x128xi32, #tpu.memory_space<vmem>> -> memref<1x128xi32, #tpu.memory_space<vmem>>
    %dma_start3A_50 = tpu.memref_squeeze %dma_start3A_49 : memref<1x128xi32, #tpu.memory_space<vmem>> -> memref<128xi32, #tpu.memory_space<vmem>>
    %dma_start3A_51 = arith.constant 0 : i32
    %dma_start3A_52 = arith.constant 0 : i32
    %dma_start3A_53 = tpu.memref_slice %arg3[%dma_start3A_51, %dma_start3A_52] : memref<800000x128xf32, #tpu.memory_space<hbm>> -> memref<800000x128xf32, #tpu.memory_space<hbm>>
    %dma_start3A_54 = tpu.memref_slice %arg8[%dma_start3A_43] : memref<5x!tpu.dma_semaphore, #tpu.memory_space<semaphore_mem>> -> memref<1x!tpu.dma_semaphore, #tpu.memory_space<semaphore_mem>>
    %dma_start3A_55 = tpu.memref_squeeze %dma_start3A_54 : memref<1x!tpu.dma_semaphore, #tpu.memory_space<semaphore_mem>> -> memref<!tpu.dma_semaphore, #tpu.memory_space<semaphore_mem>>
    tpu.enqueue_indirect_dma source(%dma_start3A_53 : memref<800000x128xf32, #tpu.memory_space<hbm>>) target(%dma_start3A_47 : memref<128x128xf32, #tpu.memory_space<vmem>>) offsets(%dma_start3A_50 : memref<128xi32, #tpu.memory_space<vmem>>) semaphore(%dma_start3A_55 : memref<!tpu.dma_semaphore, #tpu.memory_space<semaphore_mem>>)
    %dma_start3A_56 = arith.constant 3 : i32
    %dma_start3A_57 = arith.constant 3 : i32
    %dma_start3A_58 = arith.constant 3 : i32
    %dma_start3A_59 = arith.constant 0 : i32
    %dma_start3A_60 = arith.constant 0 : i32
    %dma_start3A_61 = tpu.memref_slice %arg6[%dma_start3A_57, %dma_start3A_59, %dma_start3A_60] : memref<5x128x128xf32, #tpu.memory_space<vmem>> -> memref<1x128x128xf32, #tpu.memory_space<vmem>>
    %dma_start3A_62 = tpu.memref_squeeze %dma_start3A_61 : memref<1x128x128xf32, #tpu.memory_space<vmem>> -> memref<128x128xf32, #tpu.memory_space<vmem>>
    %dma_start3A_63 = arith.constant 0 : i32
    %dma_start3A_64 = tpu.memref_slice %arg5[%dma_start3A_56, %dma_start3A_63] : memref<32x128xi32, #tpu.memory_space<vmem>> -> memref<1x128xi32, #tpu.memory_space<vmem>>
    %dma_start3A_65 = tpu.memref_squeeze %dma_start3A_64 : memref<1x128xi32, #tpu.memory_space<vmem>> -> memref<128xi32, #tpu.memory_space<vmem>>
    %dma_start3A_66 = arith.constant 0 : i32
    %dma_start3A_67 = arith.constant 0 : i32
    %dma_start3A_68 = tpu.memref_slice %arg3[%dma_start3A_66, %dma_start3A_67] : memref<800000x128xf32, #tpu.memory_space<hbm>> -> memref<800000x128xf32, #tpu.memory_space<hbm>>
    %dma_start3A_69 = tpu.memref_slice %arg8[%dma_start3A_58] : memref<5x!tpu.dma_semaphore, #tpu.memory_space<semaphore_mem>> -> memref<1x!tpu.dma_semaphore, #tpu.memory_space<semaphore_mem>>
    %dma_start3A_70 = tpu.memref_squeeze %dma_start3A_69 : memref<1x!tpu.dma_semaphore, #tpu.memory_space<semaphore_mem>> -> memref<!tpu.dma_semaphore, #tpu.memory_space<semaphore_mem>>
    tpu.enqueue_indirect_dma source(%dma_start3A_68 : memref<800000x128xf32, #tpu.memory_space<hbm>>) target(%dma_start3A_62 : memref<128x128xf32, #tpu.memory_space<vmem>>) offsets(%dma_start3A_65 : memref<128xi32, #tpu.memory_space<vmem>>) semaphore(%dma_start3A_70 : memref<!tpu.dma_semaphore, #tpu.memory_space<semaphore_mem>>)
    %dma_start3A_71 = arith.constant 4 : i32
    %dma_start3A_72 = arith.constant 4 : i32
    %dma_start3A_73 = arith.constant 4 : i32
    %dma_start3A_74 = arith.constant 0 : i32
    %dma_start3A_75 = arith.constant 0 : i32
    %dma_start3A_76 = tpu.memref_slice %arg6[%dma_start3A_72, %dma_start3A_74, %dma_start3A_75] : memref<5x128x128xf32, #tpu.memory_space<vmem>> -> memref<1x128x128xf32, #tpu.memory_space<vmem>>
    %dma_start3A_77 = tpu.memref_squeeze %dma_start3A_76 : memref<1x128x128xf32, #tpu.memory_space<vmem>> -> memref<128x128xf32, #tpu.memory_space<vmem>>
    %dma_start3A_78 = arith.constant 0 : i32
    %dma_start3A_79 = tpu.memref_slice %arg5[%dma_start3A_71, %dma_start3A_78] : memref<32x128xi32, #tpu.memory_space<vmem>> -> memref<1x128xi32, #tpu.memory_space<vmem>>
    %dma_start3A_80 = tpu.memref_squeeze %dma_start3A_79 : memref<1x128xi32, #tpu.memory_space<vmem>> -> memref<128xi32, #tpu.memory_space<vmem>>
    %dma_start3A_81 = arith.constant 0 : i32
    %dma_start3A_82 = arith.constant 0 : i32
    %dma_start3A_83 = tpu.memref_slice %arg3[%dma_start3A_81, %dma_start3A_82] : memref<800000x128xf32, #tpu.memory_space<hbm>> -> memref<800000x128xf32, #tpu.memory_space<hbm>>
    %dma_start3A_84 = tpu.memref_slice %arg8[%dma_start3A_73] : memref<5x!tpu.dma_semaphore, #tpu.memory_space<semaphore_mem>> -> memref<1x!tpu.dma_semaphore, #tpu.memory_space<semaphore_mem>>
    %dma_start3A_85 = tpu.memref_squeeze %dma_start3A_84 : memref<1x!tpu.dma_semaphore, #tpu.memory_space<semaphore_mem>> -> memref<!tpu.dma_semaphore, #tpu.memory_space<semaphore_mem>>
    tpu.enqueue_indirect_dma source(%dma_start3A_83 : memref<800000x128xf32, #tpu.memory_space<hbm>>) target(%dma_start3A_77 : memref<128x128xf32, #tpu.memory_space<vmem>>) offsets(%dma_start3A_80 : memref<128xi32, #tpu.memory_space<vmem>>) semaphore(%dma_start3A_85 : memref<!tpu.dma_semaphore, #tpu.memory_space<semaphore_mem>>)
    %scan3A_86 = arith.constant 0 : i32
    %scan3A_87 = arith.constant 0 : i32
    %scan3A_88 = arith.constant 32 : i32
    %scan3A_89 = arith.addi %scan3A_87, %scan3A_88 : i32
    %scan3A_90 = arith.constant 1 : i32
    %scan3A_91 = scf.for %scan3A_100 = %scan3A_87 to %scan3A_89 step %scan3A_90 iter_args(%scan3A_101 = %scan3A_86) -> (i32)  : i32 {
      %rem3A_102 = arith.constant 5 : i32
      %rem3A_103 = arith.remsi %scan3A_100, %rem3A_102 : i32
      %rem3A_104 = arith.constant 2 : i32
      %rem3A_105 = arith.remsi %scan3A_100, %rem3A_104 : i32
      %dma_wait3A = arith.constant 0 : i32
      %dma_wait3A_106 = arith.constant 0 : i32
      %dma_wait3A_107 = tpu.memref_slice %arg6[%rem3A_103, %dma_wait3A, %dma_wait3A_106] : memref<5x128x128xf32, #tpu.memory_space<vmem>> -> memref<1x128x128xf32, #tpu.memory_space<vmem>>
      %dma_wait3A_108 = tpu.memref_squeeze %dma_wait3A_107 : memref<1x128x128xf32, #tpu.memory_space<vmem>> -> memref<128x128xf32, #tpu.memory_space<vmem>>
      %dma_wait3A_109 = arith.constant 0 : i32
      %dma_wait3A_110 = tpu.memref_slice %arg5[%scan3A_100, %dma_wait3A_109] : memref<32x128xi32, #tpu.memory_space<vmem>> -> memref<1x128xi32, #tpu.memory_space<vmem>>
      %dma_wait3A_111 = tpu.memref_squeeze %dma_wait3A_110 : memref<1x128xi32, #tpu.memory_space<vmem>> -> memref<128xi32, #tpu.memory_space<vmem>>
      %dma_wait3A_112 = arith.constant 0 : i32
      %dma_wait3A_113 = arith.constant 0 : i32
      %dma_wait3A_114 = tpu.memref_slice %arg3[%dma_wait3A_112, %dma_wait3A_113] : memref<800000x128xf32, #tpu.memory_space<hbm>> -> memref<800000x128xf32, #tpu.memory_space<hbm>>
      %dma_wait3A_115 = tpu.memref_slice %arg8[%rem3A_103] : memref<5x!tpu.dma_semaphore, #tpu.memory_space<semaphore_mem>> -> memref<1x!tpu.dma_semaphore, #tpu.memory_space<semaphore_mem>>
      %dma_wait3A_116 = tpu.memref_squeeze %dma_wait3A_115 : memref<1x!tpu.dma_semaphore, #tpu.memory_space<semaphore_mem>> -> memref<!tpu.dma_semaphore, #tpu.memory_space<semaphore_mem>>
      tpu.wait_indirect_dma semaphore(%dma_wait3A_116 : memref<!tpu.dma_semaphore, #tpu.memory_space<semaphore_mem>>) src(%dma_wait3A_114 : memref<800000x128xf32, #tpu.memory_space<hbm>>) dst(%dma_wait3A_108 : memref<128x128xf32, #tpu.memory_space<vmem>>)
      %ge3A = arith.constant 2 : i32
      %ge3A_117 = arith.cmpi sge, %scan3A_100, %ge3A : i32
      %convert_element_type3A = arith.extui %ge3A_117 : i1 to i32
      %cond3A = arith.constant 0 : i32
      %cond3A_118 = arith.cmpi ne, %convert_element_type3A, %cond3A : i32
      scf.if %cond3A_118 {
        %sub3A = arith.constant 2 : i32
        %sub3A_151 = arith.subi %scan3A_100, %sub3A : i32
        %dma_wait3A_152 = arith.constant 0 : i32
        %dma_wait3A_153 = arith.constant 0 : i32
        %dma_wait3A_154 = tpu.memref_slice %arg7[%rem3A_105, %dma_wait3A_152, %dma_wait3A_153] : memref<2x128x64xf32, #tpu.memory_space<vmem>> -> memref<1x128x64xf32, #tpu.memory_space<vmem>>
        %dma_wait3A_155 = tpu.memref_squeeze %dma_wait3A_154 : memref<1x128x64xf32, #tpu.memory_space<vmem>> -> memref<128x64xf32, #tpu.memory_space<vmem>>
        %dma_wait3A_156 = arith.constant 0 : i32
        %dma_wait3A_157 = arith.constant 0 : i32
        %dma_wait3A_158 = tpu.memref_slice %arg4[%add3A, %sub3A_151, %dma_wait3A_156, %dma_wait3A_157] : memref<32x32x128x64xf32, #tpu.memory_space<hbm>> -> memref<1x1x128x64xf32, #tpu.memory_space<hbm>>
        %dma_wait3A_159 = tpu.memref_squeeze %dma_wait3A_158 : memref<1x1x128x64xf32, #tpu.memory_space<hbm>> -> memref<128x64xf32, #tpu.memory_space<hbm>>
        %dma_wait3A_160 = tpu.memref_slice %arg9[%rem3A_105] : memref<2x!tpu.dma_semaphore, #tpu.memory_space<semaphore_mem>> -> memref<1x!tpu.dma_semaphore, #tpu.memory_space<semaphore_mem>>
        %dma_wait3A_161 = tpu.memref_squeeze %dma_wait3A_160 : memref<1x!tpu.dma_semaphore, #tpu.memory_space<semaphore_mem>> -> memref<!tpu.dma_semaphore, #tpu.memory_space<semaphore_mem>>
        %dma_wait3A_162 = arith.constant 0 : i32
        %dma_wait3A_163 = arith.constant 0 : i32
        %dma_wait3A_164 = tpu.memref_slice %arg4[%add3A, %sub3A_151, %dma_wait3A_162, %dma_wait3A_163] : memref<32x32x128x64xf32, #tpu.memory_space<hbm>> -> memref<1x1x128x64xf32, #tpu.memory_space<hbm>>
        %dma_wait3A_165 = tpu.memref_squeeze %dma_wait3A_164 : memref<1x1x128x64xf32, #tpu.memory_space<hbm>> -> memref<128x64xf32, #tpu.memory_space<hbm>>
        %dma_wait3A_166 = arith.constant 0 : i32
        %dma_wait3A_167 = arith.constant 0 : i32
        %dma_wait3A_168 = tpu.memref_slice %arg7[%rem3A_105, %dma_wait3A_166, %dma_wait3A_167] : memref<2x128x64xf32, #tpu.memory_space<vmem>> -> memref<1x128x64xf32, #tpu.memory_space<vmem>>
        %dma_wait3A_169 = tpu.memref_squeeze %dma_wait3A_168 : memref<1x128x64xf32, #tpu.memory_space<vmem>> -> memref<128x64xf32, #tpu.memory_space<vmem>>
        tpu.wait_dma2 semaphore(%dma_wait3A_161 : memref<!tpu.dma_semaphore, #tpu.memory_space<semaphore_mem>>) src(%dma_wait3A_169 : memref<128x64xf32, #tpu.memory_space<vmem>>) dst(%dma_wait3A_165 : memref<128x64xf32, #tpu.memory_space<hbm>>)
      } else {
      }
      %scan3A_119 = arith.constant 0 : i32
      %scan3A_120 = arith.constant 0 : i32
      %scan3A_121 = arith.constant 128 : i32
      %scan3A_122 = arith.addi %scan3A_120, %scan3A_121 : i32
      %scan3A_123 = arith.constant 1 : i32
      %scan3A_124 = scf.for %scan3A_151 = %scan3A_120 to %scan3A_122 step %scan3A_123 iter_args(%scan3A_152 = %scan3A_119) -> (i32)  : i32 {
        %get3A = arith.index_cast %rem3A_103 : i32 to index
        %get3A_153 = arith.index_cast %scan3A_151 : i32 to index
        %get3A_154 = arith.constant 0 : index
        %get3A_155 = tpu.vector_load %arg6[%get3A, %get3A_153, %get3A_154] {strides = array<i32>} : memref<5x128x128xf32, #tpu.memory_space<vmem>>, vector<1x1x16xf32>,
        %get3A_156 = vector.shape_cast %get3A_155 : vector<1x1x16xf32> to vector<16xf32>
        %swap3A = arith.index_cast %rem3A_105 : i32 to index
        %swap3A_157 = arith.index_cast %scan3A_151 : i32 to index
        %swap3A_158 = arith.constant 0 : index
        %swap3A_159 = tpu.vector_load %arg7[%swap3A, %swap3A_157, %swap3A_158] {strides = array<i32>} : memref<2x128x64xf32, #tpu.memory_space<vmem>>, vector<1x1x16xf32>,
        %swap3A_160 = vector.shape_cast %swap3A_159 : vector<1x1x16xf32> to vector<16xf32>
        %swap3A_161 = vector.shape_cast %get3A_156 : vector<16xf32> to vector<1x1x16xf32>
        tpu.vector_store %arg7[%swap3A, %swap3A_157, %swap3A_158], %swap3A_161 {strides = array<i32>} : memref<2x128x64xf32, #tpu.memory_space<vmem>>, vector<1x1x16xf32>,
        %get3A_162 = arith.index_cast %rem3A_103 : i32 to index
        %get3A_163 = arith.index_cast %scan3A_151 : i32 to index
        %get3A_164 = arith.constant 16 : index
        %get3A_165 = tpu.vector_load %arg6[%get3A_162, %get3A_163, %get3A_164] {strides = array<i32>} : memref<5x128x128xf32, #tpu.memory_space<vmem>>, vector<1x1x16xf32>,
        %get3A_166 = vector.shape_cast %get3A_165 : vector<1x1x16xf32> to vector<16xf32>
        %swap3A_167 = arith.index_cast %rem3A_105 : i32 to index
        %swap3A_168 = arith.index_cast %scan3A_151 : i32 to index
        %swap3A_169 = arith.constant 16 : index
        %swap3A_170 = tpu.vector_load %arg7[%swap3A_167, %swap3A_168, %swap3A_169] {strides = array<i32>} : memref<2x128x64xf32, #tpu.memory_space<vmem>>, vector<1x1x16xf32>,
        %swap3A_171 = vector.shape_cast %swap3A_170 : vector<1x1x16xf32> to vector<16xf32>
        %swap3A_172 = vector.shape_cast %get3A_166 : vector<16xf32> to vector<1x1x16xf32>
        tpu.vector_store %arg7[%swap3A_167, %swap3A_168, %swap3A_169], %swap3A_172 {strides = array<i32>} : memref<2x128x64xf32, #tpu.memory_space<vmem>>, vector<1x1x16xf32>,
        %get3A_173 = arith.index_cast %rem3A_103 : i32 to index
        %get3A_174 = arith.index_cast %scan3A_151 : i32 to index
        %get3A_175 = arith.constant 32 : index
        %get3A_176 = tpu.vector_load %arg6[%get3A_173, %get3A_174, %get3A_175] {strides = array<i32>} : memref<5x128x128xf32, #tpu.memory_space<vmem>>, vector<1x1x16xf32>,
        %get3A_177 = vector.shape_cast %get3A_176 : vector<1x1x16xf32> to vector<16xf32>
        %swap3A_178 = arith.index_cast %rem3A_105 : i32 to index
        %swap3A_179 = arith.index_cast %scan3A_151 : i32 to index
        %swap3A_180 = arith.constant 32 : index
        %swap3A_181 = tpu.vector_load %arg7[%swap3A_178, %swap3A_179, %swap3A_180] {strides = array<i32>} : memref<2x128x64xf32, #tpu.memory_space<vmem>>, vector<1x1x16xf32>,
        %swap3A_182 = vector.shape_cast %swap3A_181 : vector<1x1x16xf32> to vector<16xf32>
        %swap3A_183 = vector.shape_cast %get3A_177 : vector<16xf32> to vector<1x1x16xf32>
        tpu.vector_store %arg7[%swap3A_178, %swap3A_179, %swap3A_180], %swap3A_183 {strides = array<i32>} : memref<2x128x64xf32, #tpu.memory_space<vmem>>, vector<1x1x16xf32>,
        %get3A_184 = arith.index_cast %rem3A_103 : i32 to index
        %get3A_185 = arith.index_cast %scan3A_151 : i32 to index
        %get3A_186 = arith.constant 48 : index
        %get3A_187 = tpu.vector_load %arg6[%get3A_184, %get3A_185, %get3A_186] {strides = array<i32>} : memref<5x128x128xf32, #tpu.memory_space<vmem>>, vector<1x1x16xf32>,
        %get3A_188 = vector.shape_cast %get3A_187 : vector<1x1x16xf32> to vector<16xf32>
        %swap3A_189 = arith.index_cast %rem3A_105 : i32 to index
        %swap3A_190 = arith.index_cast %scan3A_151 : i32 to index
        %swap3A_191 = arith.constant 48 : index
        %swap3A_192 = tpu.vector_load %arg7[%swap3A_189, %swap3A_190, %swap3A_191] {strides = array<i32>} : memref<2x128x64xf32, #tpu.memory_space<vmem>>, vector<1x1x16xf32>,
        %swap3A_193 = vector.shape_cast %swap3A_192 : vector<1x1x16xf32> to vector<16xf32>
        %swap3A_194 = vector.shape_cast %get3A_188 : vector<16xf32> to vector<1x1x16xf32>
        tpu.vector_store %arg7[%swap3A_189, %swap3A_190, %swap3A_191], %swap3A_194 {strides = array<i32>} : memref<2x128x64xf32, #tpu.memory_space<vmem>>, vector<1x1x16xf32>,
        %scan3A_195 = arith.constant 0 : i32
        scf.yield %scan3A_195 : i32
      }
      %scan3A_125 = arith.constant 128 : i32
      %add3A_126 = arith.constant 5 : i32
      %add3A_127 = arith.addi %scan3A_100, %add3A_126 : i32
      %lt3A = arith.constant 32 : i32
      %lt3A_128 = arith.cmpi slt, %add3A_127, %lt3A : i32
      %convert_element_type3A_129 = arith.extui %lt3A_128 : i1 to i32
      %cond3A_130 = arith.constant 0 : i32
      %cond3A_131 = arith.cmpi ne, %convert_element_type3A_129, %cond3A_130 : i32
      scf.if %cond3A_131 {
        %add3A_151 = arith.constant 5 : i32
        %add3A_152 = arith.addi %scan3A_100, %add3A_151 : i32
        %dma_start3A_153 = arith.constant 0 : i32
        %dma_start3A_154 = arith.constant 0 : i32
        %dma_start3A_155 = tpu.memref_slice %arg6[%rem3A_103, %dma_start3A_153, %dma_start3A_154] : memref<5x128x128xf32, #tpu.memory_space<vmem>> -> memref<1x128x128xf32, #tpu.memory_space<vmem>>
        %dma_start3A_156 = tpu.memref_squeeze %dma_start3A_155 : memref<1x128x128xf32, #tpu.memory_space<vmem>> -> memref<128x128xf32, #tpu.memory_space<vmem>>
        %dma_start3A_157 = arith.constant 0 : i32
        %dma_start3A_158 = tpu.memref_slice %arg5[%add3A_152, %dma_start3A_157] : memref<32x128xi32, #tpu.memory_space<vmem>> -> memref<1x128xi32, #tpu.memory_space<vmem>>
        %dma_start3A_159 = tpu.memref_squeeze %dma_start3A_158 : memref<1x128xi32, #tpu.memory_space<vmem>> -> memref<128xi32, #tpu.memory_space<vmem>>
        %dma_start3A_160 = arith.constant 0 : i32
        %dma_start3A_161 = arith.constant 0 : i32
        %dma_start3A_162 = tpu.memref_slice %arg3[%dma_start3A_160, %dma_start3A_161] : memref<800000x128xf32, #tpu.memory_space<hbm>> -> memref<800000x128xf32, #tpu.memory_space<hbm>>
        %dma_start3A_163 = tpu.memref_slice %arg8[%rem3A_103] : memref<5x!tpu.dma_semaphore, #tpu.memory_space<semaphore_mem>> -> memref<1x!tpu.dma_semaphore, #tpu.memory_space<semaphore_mem>>
        %dma_start3A_164 = tpu.memref_squeeze %dma_start3A_163 : memref<1x!tpu.dma_semaphore, #tpu.memory_space<semaphore_mem>> -> memref<!tpu.dma_semaphore, #tpu.memory_space<semaphore_mem>>
        tpu.enqueue_indirect_dma source(%dma_start3A_162 : memref<800000x128xf32, #tpu.memory_space<hbm>>) target(%dma_start3A_156 : memref<128x128xf32, #tpu.memory_space<vmem>>) offsets(%dma_start3A_159 : memref<128xi32, #tpu.memory_space<vmem>>) semaphore(%dma_start3A_164 : memref<!tpu.dma_semaphore, #tpu.memory_space<semaphore_mem>>)
      } else {
      }
      %dma_start3A_132 = arith.constant 0 : i32
      %dma_start3A_133 = arith.constant 0 : i32
      %dma_start3A_134 = tpu.memref_slice %arg7[%rem3A_105, %dma_start3A_132, %dma_start3A_133] : memref<2x128x64xf32, #tpu.memory_space<vmem>> -> memref<1x128x64xf32, #tpu.memory_space<vmem>>
      %dma_start3A_135 = tpu.memref_squeeze %dma_start3A_134 : memref<1x128x64xf32, #tpu.memory_space<vmem>> -> memref<128x64xf32, #tpu.memory_space<vmem>>
      %dma_start3A_136 = arith.constant 0 : i32
      %dma_start3A_137 = arith.constant 0 : i32
      %dma_start3A_138 = tpu.memref_slice %arg4[%add3A, %scan3A_100, %dma_start3A_136, %dma_start3A_137] : memref<32x32x128x64xf32, #tpu.memory_space<hbm>> -> memref<1x1x128x64xf32, #tpu.memory_space<hbm>>
      %dma_start3A_139 = tpu.memref_squeeze %dma_start3A_138 : memref<1x1x128x64xf32, #tpu.memory_space<hbm>> -> memref<128x64xf32, #tpu.memory_space<hbm>>
      %dma_start3A_140 = tpu.memref_slice %arg9[%rem3A_105] : memref<2x!tpu.dma_semaphore, #tpu.memory_space<semaphore_mem>> -> memref<1x!tpu.dma_semaphore, #tpu.memory_space<semaphore_mem>>
      %dma_start3A_141 = tpu.memref_squeeze %dma_start3A_140 : memref<1x!tpu.dma_semaphore, #tpu.memory_space<semaphore_mem>> -> memref<!tpu.dma_semaphore, #tpu.memory_space<semaphore_mem>>
      %dma_start3A_142 = arith.constant 0 : i32
      %dma_start3A_143 = arith.constant 0 : i32
      %dma_start3A_144 = tpu.memref_slice %arg4[%add3A, %scan3A_100, %dma_start3A_142, %dma_start3A_143] : memref<32x32x128x64xf32, #tpu.memory_space<hbm>> -> memref<1x1x128x64xf32, #tpu.memory_space<hbm>>
      %dma_start3A_145 = tpu.memref_squeeze %dma_start3A_144 : memref<1x1x128x64xf32, #tpu.memory_space<hbm>> -> memref<128x64xf32, #tpu.memory_space<hbm>>
      %dma_start3A_146 = arith.constant 0 : i32
      %dma_start3A_147 = arith.constant 0 : i32
      %dma_start3A_148 = tpu.memref_slice %arg7[%rem3A_105, %dma_start3A_146, %dma_start3A_147] : memref<2x128x64xf32, #tpu.memory_space<vmem>> -> memref<1x128x64xf32, #tpu.memory_space<vmem>>
      %dma_start3A_149 = tpu.memref_squeeze %dma_start3A_148 : memref<1x128x64xf32, #tpu.memory_space<vmem>> -> memref<128x64xf32, #tpu.memory_space<vmem>>
      tpu.enqueue_dma source(%dma_start3A_149 : memref<128x64xf32, #tpu.memory_space<vmem>>) target(%dma_start3A_145 : memref<128x64xf32, #tpu.memory_space<hbm>>) target_semaphore(%dma_start3A_141 : memref<!tpu.dma_semaphore, #tpu.memory_space<semaphore_mem>>)
      %scan3A_150 = arith.constant 0 : i32
      scf.yield %scan3A_150 : i32
    }
    %scan3A_92 = arith.constant 32 : i32
    %scan3A_93 = arith.constant 0 : i32
    %scan3A_94 = arith.constant 30 : i32
    %scan3A_95 = arith.constant 2 : i32
    %scan3A_96 = arith.addi %scan3A_94, %scan3A_95 : i32
    %scan3A_97 = arith.constant 1 : i32
    %scan3A_98 = scf.for %scan3A_100 = %scan3A_94 to %scan3A_96 step %scan3A_97 iter_args(%scan3A_101 = %scan3A_93) -> (i32)  : i32 {
      %rem3A_102 = arith.constant 2 : i32
      %rem3A_103 = arith.remsi %scan3A_100, %rem3A_102 : i32
      %dma_wait3A = arith.constant 0 : i32
      %dma_wait3A_104 = arith.constant 0 : i32
      %dma_wait3A_105 = tpu.memref_slice %arg7[%rem3A_103, %dma_wait3A, %dma_wait3A_104] : memref<2x128x64xf32, #tpu.memory_space<vmem>> -> memref<1x128x64xf32, #tpu.memory_space<vmem>>
      %dma_wait3A_106 = tpu.memref_squeeze %dma_wait3A_105 : memref<1x128x64xf32, #tpu.memory_space<vmem>> -> memref<128x64xf32, #tpu.memory_space<vmem>>
      %dma_wait3A_107 = arith.constant 0 : i32
      %dma_wait3A_108 = arith.constant 0 : i32
      %dma_wait3A_109 = tpu.memref_slice %arg4[%add3A, %scan3A_100, %dma_wait3A_107, %dma_wait3A_108] : memref<32x32x128x64xf32, #tpu.memory_space<hbm>> -> memref<1x1x128x64xf32, #tpu.memory_space<hbm>>
      %dma_wait3A_110 = tpu.memref_squeeze %dma_wait3A_109 : memref<1x1x128x64xf32, #tpu.memory_space<hbm>> -> memref<128x64xf32, #tpu.memory_space<hbm>>
      %dma_wait3A_111 = tpu.memref_slice %arg9[%rem3A_103] : memref<2x!tpu.dma_semaphore, #tpu.memory_space<semaphore_mem>> -> memref<1x!tpu.dma_semaphore, #tpu.memory_space<semaphore_mem>>
      %dma_wait3A_112 = tpu.memref_squeeze %dma_wait3A_111 : memref<1x!tpu.dma_semaphore, #tpu.memory_space<semaphore_mem>> -> memref<!tpu.dma_semaphore, #tpu.memory_space<semaphore_mem>>
      %dma_wait3A_113 = arith.constant 0 : i32
      %dma_wait3A_114 = arith.constant 0 : i32
      %dma_wait3A_115 = tpu.memref_slice %arg4[%add3A, %scan3A_100, %dma_wait3A_113, %dma_wait3A_114] : memref<32x32x128x64xf32, #tpu.memory_space<hbm>> -> memref<1x1x128x64xf32, #tpu.memory_space<hbm>>
      %dma_wait3A_116 = tpu.memref_squeeze %dma_wait3A_115 : memref<1x1x128x64xf32, #tpu.memory_space<hbm>> -> memref<128x64xf32, #tpu.memory_space<hbm>>
      %dma_wait3A_117 = arith.constant 0 : i32
      %dma_wait3A_118 = arith.constant 0 : i32
      %dma_wait3A_119 = tpu.memref_slice %arg7[%rem3A_103, %dma_wait3A_117, %dma_wait3A_118] : memref<2x128x64xf32, #tpu.memory_space<vmem>> -> memref<1x128x64xf32, #tpu.memory_space<vmem>>
      %dma_wait3A_120 = tpu.memref_squeeze %dma_wait3A_119 : memref<1x128x64xf32, #tpu.memory_space<vmem>> -> memref<128x64xf32, #tpu.memory_space<vmem>>
      tpu.wait_dma2 semaphore(%dma_wait3A_112 : memref<!tpu.dma_semaphore, #tpu.memory_space<semaphore_mem>>) src(%dma_wait3A_120 : memref<128x64xf32, #tpu.memory_space<vmem>>) dst(%dma_wait3A_116 : memref<128x64xf32, #tpu.memory_space<hbm>>)
      %scan3A_121 = arith.constant 0 : i32
      scf.yield %scan3A_121 : i32
    }
    %scan3A_99 = arith.constant 2 : i32
    return
  }
}

</mosaic_0001>

<sc_bundles>
// kernel: kernel.3.cloned.1.call-start
scs
__scs_entry_jumppad:
0x0: {  	(pc) =	sbr.rel $0x88, $3  }
0x1: {  	(tag) =	ssettag $0x0;
	lr =	simm.s32 $0x1  }
0x2: {  	[smem:$0x3F9F] =	sst lr;
	_ =	strace $0xD0000000  }
0x3: {  	_ = 	snop  }
0x4: {  	_ = 	snop  }
0x5: {  	_ = 	snop  }
0x6: {  	_ = 	snop  }
0x7: {  	_ = 	snop  }
__scs_overlays_trampoline_lowered:
0x8: {  	[smem:$0x3FAE] =	sst s0  }
0x9: {  	[smem:$0x3FAF] =	sst s1  }
0xa: {  	[smem:$0x3FB0] =	sst s2  }
0xb: {  	[smem:$0x3FB1] =	sst s3  }
0xc: {  	[smem:$0x3FB2] =	sst s4  }
0xd: {  	[smem:$0x3FB3] =	sst s5  }
0xe: {  	[smem:$0x3FB4] =	sst s6  }
0xf: {  	[smem:$0x3FB5] =	sst s7  }
0x10: {  	[smem:$0x3FB6] =	sst s8  }
0x11: {  	[smem:$0x3FB7] =	sst s9;
	s0 =	simm.s32 @!p0 $0x0  }
0x12: {  	s1 =	sld [smem:$0x3F9D];
	s0 =	simm.s32 @p0 $0x1  }
0x13: {  	[smem:$0x3FB8] =	sst s0;
	s0 =	simm.s32 @!p1 $0x0  }
0x14: {  	s2 =	sld [smem:$0x3F9C];
	s0 =	simm.s32 @p1 $0x1  }
0x15: {  	[smem:$0x3FB9] =	sst s0;
	s0 =	simm.s32 @!p2 $0x0  }
0x16: {  	s3 =	sld [smem:$0x3FDB];
	s0 =	simm.s32 @p2 $0x1  }
0x17: {  	s4 =	simm.s32 $0x1BF5;
	[smem:$0x3FBB] =	sst s0  }
0x18: {  	s0 =	sld [smem:$0x3F9E];
	_ =	swait.ge [sflag:s4], $0x0  }
0x19: {  	s7 =	sld [smem:$0x3F9F]  }
0x1a: {  	s8 =	sadd.s32 $0xFFFFE003, lr  }
0x1b: {  	s9 =	sadd.s32 $0xFFFFFEF7, lr;
	s5 =	simm.s32 $0xFFFFFFFF;
	p2 =	slt.u32 s8, $0xFFFFF086  }
0x1c: {  	p1 =	slt.u32 s9, $0xF7A;
	s5 =	simm.s32 @!p2 $0x0  }
0x1d: {  	s5 =	simm.s32 @p1 $0x1;
	p0 =	seq.s32 s7, s2  }
0x1e: {  	s7 =	smul.u32 @!p0 $0xF7A, s2;
	p2 =	seq.s32 @!p0 s5, $0x0  }
0x1f: {  	s9 =	smul.u32 $0xF7A, s1;
	s8 =	simm.s32 @!p0 $0x1BF5;
	p2 =	por !p2, p0  }
0x20: {  	[sflag:s8] =	ssyncset.s32 @!p0 $0xFFFFF086;
	s6 =	sadd.s32 @!p0 s3, s7;
	s7 =	simm.s32 @!p0 $0x108  }
0x21: {  	s3 =	sadd.s32 s3, s9;
	s6 =	sadd.s32 @!p0 $0x88, s6;
	s7 =	simm.s32 @p2 $0x1082  }
0x22: {  	[simem:s7], [sflag:s8] =	dma.local @!p0 [hbm:s6], $0xF7A  }
0x23: {  	s9 =	sor.u32 $0xD0000000, s2;
	s6 =	simm.s32 $0x108;
	_ =	swait.ge @!p0 [sflag:s8], $0x0  }
0x24: {  	s3 =	sadd.s32 $0x88, s3;
	s6 =	simm.s32 @!p1 $0x1082;
	[sflag:s4] =	ssyncset.s32 $0xFFFFF086  }
0x25: {  	[simem:s6], [sflag:s4] =	dma.local [hbm:s3], $0xF7A  }
0x26: {  	[smem:$0x3F9F] =	sst s1;
	(tag) =	ssettag s2;
	_ =	strace s9  }
0x27: {  	s1 =	sld [smem:$0x3FAF]  }
0x28: {  	s2 =	sld [smem:$0x3FB0]  }
0x29: {  	s4 =	sld [smem:$0x3FB2]  }
0x2a: {  	p0 =	seq.s32 s5, $0x0;
	s5 =	sld [smem:$0x3FB3]  }
0x2b: {  	s6 =	sld [smem:$0x3FB4]  }
0x2c: {  	s7 =	sld [smem:$0x3FB5]  }
0x2d: {  	s3 =	simm.s32 $0x108;
	s8 =	sld [smem:$0x3FB6]  }
0x2e: {  	s3 =	simm.s32 @!p0 $0x1082;
	s9 =	sld [smem:$0x3FB7]  }
0x2f: {  	lr =	sadd.s32 s0, s3;
	s0 =	sld [smem:$0x3FAE]  }
0x30: {  	s3 =	sld [smem:$0x3FB1]  }
0x31: {  	[smem:$0x3FBA] =	sst s10  }
0x32: {  	s10 =	sld [smem:$0x3FB8];
	_ =	sdelay $0x3  }
0x33: {  	p0 =	seq.s32 s10, $0x1;
	s10 =	sld [smem:$0x3FBA];
	_ =	sdelay $0x3  }
0x34: {  	[smem:$0x3FBA] =	sst s10  }
0x35: {  	s10 =	sld [smem:$0x3FB9];
	_ =	sdelay $0x3  }
0x36: {  	p1 =	seq.s32 s10, $0x1;
	s10 =	sld [smem:$0x3FBA];
	_ =	sdelay $0x3  }
0x37: {  	[smem:$0x3FBA] =	sst s10  }
0x38: {  	s10 =	sld [smem:$0x3FBB]  }
0x39: {  	_ = 	snop;
	(pc) =	sbr.ind lr, $3  }
0x3a: {  	_ = 	snop  }
0x3b: {  	_ = 	snop  }
0x3c: {  	p2 =	seq.s32 s10, $0x1;
	s10 =	sld [smem:$0x3FBA]  }
0x3d: {  	_ =	shalt  }
0x3e: {  	_ =	shalt  }
0x3f: {  	_ =	shalt  }
0x40: {  	_ =	shalt  }
0x41: {  	_ =	shalt  }
0x42: {  	_ =	shalt  }
0x43: {  	_ =	shalt  }
0x44: {  	_ =	shalt  }
0x45: {  	_ =	shalt  }
0x46: {  	_ =	shalt  }
0x47: {  	_ =	shalt  }
0x48: {  	_ =	shalt  }
0x49: {  	_ =	shalt  }
0x4a: {  	_ =	shalt  }
0x4b: {  	_ =	shalt  }
0x4c: {  	_ =	shalt  }
0x4d: {  	_ =	shalt  }
0x4e: {  	_ =	shalt  }
0x4f: {  	_ =	shalt  }
0x50: {  	_ =	shalt  }
0x51: {  	_ =	shalt  }
0x52: {  	_ =	shalt  }
0x53: {  	_ =	shalt  }
0x54: {  	_ =	shalt  }
0x55: {  	_ =	shalt  }
0x56: {  	_ =	shalt  }
0x57: {  	_ =	shalt  }
0x58: {  	_ =	shalt  }
0x59: {  	_ =	shalt  }
0x5a: {  	_ =	shalt  }
0x5b: {  	_ =	shalt  }
0x5c: {  	_ =	shalt  }
0x5d: {  	_ =	shalt  }
0x5e: {  	_ =	shalt  }
0x5f: {  	_ =	shalt  }
0x60: {  	_ =	shalt  }
0x61: {  	_ =	shalt  }
0x62: {  	_ =	shalt  }
0x63: {  	_ =	shalt  }
0x64: {  	_ =	shalt  }
0x65: {  	_ =	shalt  }
0x66: {  	_ =	shalt  }
0x67: {  	_ =	shalt  }
0x68: {  	_ =	shalt  }
0x69: {  	_ =	shalt  }
0x6a: {  	_ =	shalt  }
0x6b: {  	_ =	shalt  }
0x6c: {  	_ =	shalt  }
0x6d: {  	_ =	shalt  }
0x6e: {  	_ =	shalt  }
0x6f: {  	_ =	shalt  }
0x70: {  	_ =	shalt  }
0x71: {  	_ =	shalt  }
0x72: {  	_ =	shalt  }
0x73: {  	_ =	shalt  }
0x74: {  	_ =	shalt  }
0x75: {  	_ =	shalt  }
0x76: {  	_ =	shalt  }
0x77: {  	_ =	shalt  }
0x78: {  	_ =	shalt  }
0x79: {  	_ =	shalt  }
0x7a: {  	_ =	shalt  }
0x7b: {  	_ =	shalt  }
0x7c: {  	_ =	shalt  }
0x7d: {  	_ =	shalt  }
0x7e: {  	_ =	shalt  }
0x7f: {  	_ =	shalt  }
0x80: {  	_ =	shalt  }
0x81: {  	_ =	shalt  }
0x82: {  	_ =	shalt  }
0x83: {  	_ =	shalt  }
0x84: {  	_ =	shalt  }
0x85: {  	_ =	shalt  }
0x86: {  	_ =	shalt  }
0x87: {  	_ =	shalt  }
.Lfunc_end0:
.L_simem_size_0:
called_computation.1_lowered:
.L_overlay_start_0:
0x88: {  	s2 =	sld [smem:$0x3FD9]  }
0x89: {  	s3 =	sld [smem:$0x3FFE];
	_ =	sdelay $0x1  }
0x8a: {  	s1 =	srdreg.scid  }
0x8b: {  	s0 =	sand.u32 $0x1, s1  }
0x8c: {  	s17 =	sshll.u32 s0, $0xA;
	s2 =	sadd.s32 s3, s2  }
0x8d: {  	s2 =	sadd.s32 s2, s17  }
0x8e: {  	[smem:$0x3FC6] =	sst s2  }
0x8f: {  	_ = 	snop  }
0x90: {  	s2 =	sld [smem:$0x3FD0];
	(tm) =	ssettm $0x1  }
0x91: {  	s18 =	sld [smem:$0x3FFB];
	_ =	sdelay $0x3  }
0x92: {  	_ =	strace s18  }
0x93: {  	s3 =	sld [smem:$0x3FFC];
	_ =	sdelay $0x3  }
0x94: {  	_ =	strace s3  }
0x95: {  	s3 =	sld [smem:$0x3FFD];
	_ =	sdelay $0x3  }
0x96: {  	_ =	strace s3  }
0x97: {  	_ =	strace $0x8FFFFFFF  }
0x98: {  	s19 =	sld [smem:$0x3FDB];
	_ =	sdelay $0x1  }
0x99: {  	s4 =	simm.s32 $_scs_section_size  }
0x9a: {  	s5 =	simm.s32 $_size__tile_overlayer_lowered;
	s6 =	simm.s32 $_tile_overlayer_lowered  }
0x9b: {  	s22 =	simm.s32 $0x1BFF;
	s21 =	sshll.u32 s6, $0x1;
	s3 =	sadd.s32 s4, s19  }
0x9c: {  	s7 =	simm.s32 $0x0;
	s20 =	sshll.u32 s5, $0x1;
	s5 =	sadd.s32 s21, s3  }
0x9d: {  	[timem:s7], [sflag:s22] =	dma.local [hbm:s5], s20  }
0x9e: {  	_ =	swait.ge [sflag:s22], s20  }
0x9f: {  	s4 =	ssub.s32 $0x0, s20;
	[sflag:s22] =	ssyncset.done $0x0  }
0xa0: {  	[sflag:s22] =	ssyncadd.s32 s4;
	_ =	sdelay $0x1  }
0xa1: {  	s23 =	simm.s32 $0x1B8B  }
0xa2: {  	_ =	swait.ge [sflag:s23], $0x1  }
0xa3: {  	[sflag:s23] =	ssyncset.done $0x0  }
0xa4: {  	s25 =	simm.s32 $0x1B8E;
	s24 =	sld [smem:$0x3FFE];
	[sflag:s23] =	ssyncadd.s32 $0xFFFFFFFF  }
0xa5: {  	s26 =	simm.s32 $execute0_lowered;
	[smem:$0x3FD2] =	sst s25  }
0xa6: {  	s5 =	sshll.u32 s26, $0x1;
	_ =	strace $0x80000046;
	[dreg:$0x1] =	wrdreg $0xFFFFFFFF  }
0xa7: {  	s28 =	simm.s32 $_size_execute0_lowered;
	s3 =	sadd.s32 s3, s5;
	[dreg:$0x0] =	wrdreg $0x0  }
0xa8: {  	s5 =	sshll.u32 s28, $0x1;
	[dreg:$0x2] =	wrdreg s3  }
0xa9: {  	[dreg:$0x3] =	wrdreg s5  }
0xaa: {  	[dreg:$0x4] =	wrdreg $0xC0  }
0xab: {  	_ =	task [dreg:s7], $0x5FFFF  }
0xac: {  	[dreg:$0x1] =	wrdreg $0xFFFFFFFF  }
0xad: {  	[dreg:$0x0] =	wrdreg $0x60  }
0xae: {  	[dreg:$0x2] =	wrdreg s2  }
0xaf: {  	[dreg:$0x3] =	wrdreg s24  }
0xb0: {  	[dreg:$0x4] =	wrdreg $0x9  }
0xb1: {  	_ =	task.clear_ibuf [dreg:s7], $0x5FFFF;
	_ =	strace $0x90000046  }
0xb2: {  	s29 =	simm.s32 $0x9;
	_ =	strace $0x80000048  }
0xb3: {  	_ =	swait.ge [sflag:s29], $0x1  }
0xb4: {  	[sflag:s29] =	ssyncadd.s32 $0xFFFFFFFF  }
0xb5: {  	_ =	strace $0x90000048  }
0xb6: {  	_ =	sfence  }
0xb7: {  	s30 =	sld [smem:$0x0];
	_ =	sdelay $0x2  }
0xb8: {  	s31 =	sshll.u32 s1, $0xD;
	s1 =	sshrl.u32 s1, $0x2  }
0xb9: {  	s3 =	sand.u32 $0x4000, s31;
	s1 =	sadd.s32 s1, s30  }
0xba: {  	s0 =	sor.u32 s3, s0;
	s1 =	sshll.u32 s1, $0x11  }
0xbb: {  	s0 =	sor.u32 s1, s0  }
0xbc: {  	s0 =	sadd.s32 $0x8F2B, s0  }
0xbd: {  	[sflag:s0] =	ssyncadd.remote.s32 $0x1  }
0xbe: {  	_ =	sfence.sel $0xFFFF  }
0xbf: {  	[dreg:$0x0] =	wrdreg $0xFFFFFFFF;
	(pc) =	sbr.abs _section_cstart, $3  }
0xc0: {  	[dreg:$0x1] =	wrdreg $0xFFFFFFFF  }
0xc1: {  	_ =	task.clear_ibuf [dreg:s7], $0x2FFFF;
	_ =	strace $0x9FFFFFFF  }
0xc2: {  	(tm) =	ssettm $0x7FFFFFFF  }
0xc3: {  	_ =	shalt  }
tec
execute0_lowered:
.L_overlay_start_1:
0x0: {  	(tag) =	ssettag $0x1  }
0x1: {  	s4 =	rddreg [dreg:$0x0]  }
0x2: {  	s5 =	rddreg [dreg:$0x1]  }
0x3: {  	s0 =	rddreg [dreg:$0x2]  }
0x4: {  	s2 =	simm.s32 $0x0;
	s3 =	srdreg.scid;
	s1 =	stileid.u32  }
0x5: {  	s10 =	simm.s32 $0x100;
	s11 =	simm.s32 $0x9000;
	s12 =	simm.s32 $0x180  }
0x6: {  	s13 =	simm.s32 $0xD000;
	s14 =	simm.s32 $0x200;
	s15 =	simm.s32 $0x11000  }
0x7: {  	s16 =	simm.s32 $0x6;
	s17 =	simm.s32 $0x7;
	s18 =	simm.s32 $0x0  }
0x8: {  	[smem:$0x7FF] =	sst s2;
	s3 =	sand.u32 $0x1, s3;
	s6 =	sshll.u32 s1, $0x1  }
0x9: {  	_ =	strace $0x80000047;
	s6 =	sor.u32 s3, s6;
	s7 =	ssub.s32 $0x2, s3  }
0xa: {  	v0 =	vlaneseq.u32;
	s3 =	sadd.s32 $0xC35A00, s5;
	s8 =	sshll.u32 s6, $0x10;
	s9 =	sshrl.u32 s7, $0x1  }
0xb: {  	v0 =	vand.u32 $0x7, v0;
	s6 =	sshll.u32 s6, $0x9;
	s5 =	sadd.s32 s8, s5;
	s7 =	ssub.s32 s7, s9  }
0xc: {  	v0 =	vmul.u32 $0x186A0, v0;
	s4 =	sadd.s32 s4, s6;
	s8 =	simm.s32 $0x80;
	s9 =	simm.s32 $0x5000  }
0xd: {  	s5 =	sadd.s32 $0xA00, s5;
	s6 =	smax.u32 s7, $0x1;
	s7 =	simm.s32 $0x8  }
.LBB2_1:
0xe: {  	[tilespmem:s2], [sflag:$0x8] =	stream.linear.gather [hbm4b:s4+s2], $0x1000, $0x38;
	[tilespmem:$0x1D000] =	vst v63  }
0xf: {  	_ =	swait.ge [sflag:s7], $0x1000  }
0x10: {  	[sflag:s7] =	ssyncset.done $0x0  }
0x11: {  	s19 =	simm.s32 $0x0;
	[sflag:s7] =	ssyncadd.s32 $0xFFFFF000  }
0x12: {  	v3 =	vld [tilespmem:s19+$0x0]  }
0x13: {  	v5 =	vld [tilespmem:s19+$0x10]  }
0x14: {  	v4 =	vld [tilespmem:s19+$0x20]  }
0x15: {  	v2 =	vld [tilespmem:s19+$0x30]  }
0x16: {  	v1 =	vld [tilespmem:s19+$0x40]  }
0x17: {  	v6 =	vadd.s32 v0, v3;
	v3 =	vld [tilespmem:s19+$0x50]  }
0x18: {  	s20 =	simm.s32 $0x200;
	[tilespmem:s19+$0x0] =	vst v6;
	v6 =	vadd.s32 v0, v5;
	v5 =	vld [tilespmem:s19+$0x60]  }
.LBB2_2:
0x19: {  	s21 =	sshra.s32 s20, $0x2;
	p0 =	sne.s32 s20, $0x3E00;
	[tilespmem:s19+$0x10] =	vst v6;
	v4 =	vadd.s32 v0, v4;
	v6 =	vld [tilespmem:s19+$0x70]  }
0x1a: {  	v7 =	vld [tilespmem:s21+$0x0];
	[tilespmem:s19+$0x20] =	vst v4;
	v2 =	vadd.s32 v0, v2  }
0x1b: {  	v8 =	vld [tilespmem:s21+$0x10];
	[tilespmem:s19+$0x30] =	vst v2;
	v1 =	vadd.s32 v0, v1  }
.Ltmp0:
0x1c: {  	v4 =	vld [tilespmem:s21+$0x20];
	[tilespmem:s19+$0x40] =	vst v1;
	v1 =	vadd.s32 v0, v3;
	(pc) =	sbr.rel @p0 .LBB2_2-.Ltmp0, $4  }
0x1d: {  	v2 =	vld [tilespmem:s21+$0x30];
	[tilespmem:s19+$0x50] =	vst v1;
	v3 =	vadd.s32 v0, v5  }
0x1e: {  	v1 =	vld [tilespmem:s21+$0x40];
	[tilespmem:s19+$0x60] =	vst v3;
	v5 =	vadd.s32 v0, v6  }
0x1f: {  	v6 =	vadd.s32 v0, v7;
	v3 =	vld [tilespmem:s21+$0x50];
	[tilespmem:s19+$0x70] =	vst v5;
	s19 =	smov.u32 s21  }
0x20: {  	s20 =	sadd.s32 $0x200, s20;
	[tilespmem:s19+$0x0] =	vst v6;
	v6 =	vadd.s32 v0, v8;
	v5 =	vld [tilespmem:s19+$0x60]  }
0x21: {  	[tilespmem:s19+$0x10] =	vst v6;
	v4 =	vadd.s32 v0, v4;
	v63 =	vld [tilespmem:s19+$0x70]  }
0x22: {  	[tilespmem:s19+$0x20] =	vst v4;
	v2 =	vadd.s32 v0, v2  }
0x23: {  	[tilespmem:s19+$0x30] =	vst v2;
	v1 =	vadd.s32 v0, v1  }
0x24: {  	[tilespmem:s19+$0x40] =	vst v1;
	v1 =	vadd.s32 v0, v3  }
0x25: {  	[tilespmem:s19+$0x50] =	vst v1;
	v1 =	vadd.s32 v0, v5  }
0x26: {  	[tilespmem:s19+$0x60] =	vst v1;
	v1 =	vadd.s32 v0, v63  }
0x27: {  	s20 =	simm.s32 $0x1000;
	[tilespmem:s19+$0x70] =	vst v1;
	s19 =	simm.s32 $0x0  }
0x28: {  	[tilespmem:s20], [sflag:$0x1] =	stream.indirect.gather [hbm4b:s3+s8], $0x80, s19, s8, $0xb8;
	[tilespmem:$0x1D000] =	vst v63  }
0x29: {  	_ = 	snop  }
0x2a: {  	[tilespmem:s9], [sflag:$0x2] =	stream.indirect.gather [hbm4b:s3+s8], $0x80, s8, s8, $0xb8;
	[tilespmem:$0x1D000] =	vst v63  }
0x2b: {  	_ = 	snop  }
0x2c: {  	[tilespmem:s11], [sflag:$0x3] =	stream.indirect.gather [hbm4b:s3+s8], $0x80, s10, s8, $0xb8;
	[tilespmem:$0x1D000] =	vst v63  }
0x2d: {  	_ = 	snop  }
0x2e: {  	[tilespmem:s13], [sflag:$0x4] =	stream.indirect.gather [hbm4b:s3+s8], $0x80, s12, s8, $0xb8;
	[tilespmem:$0x1D000] =	vst v63  }
0x2f: {  	p0 =	por $0x0, $0x0  }
0x30: {  	[tilespmem:s15], [sflag:$0x5] =	stream.indirect.gather [hbm4b:s3+s8], $0x80, s14, s8, $0xb8;
	[tilespmem:$0x1D000] =	vst v63  }
.LBB2_4:
0x31: {  	s21 =	smul.u32 $0xCD, s19;
	_ =	sdelay $0x1  }
0x32: {  	s21 =	sshrl.u32 s21, $0xA  }
0x33: {  	s22 =	smulhi.u32 $0xCCCCCCCD, s19;
	s21 =	sand.u32 $0x3F, s21  }
0x34: {  	s21 =	smul.u32 $0x5, s21  }
0x35: {  	s22 =	sshrl.u32 s22, $0x2  }
0x36: {  	s22 =	smul.u32 $0xFFFB0000, s22;
	s21 =	ssub.s32 s19, s21  }
0x37: {  	s25 =	simm.s32 $0x1;
	s23 =	sand.u32 $0xFF, s21  }
0x38: {  	p1 =	slt.u32 s19, $0x2;
	s24 =	sshra.s32 s22, $0x2;
	s21 =	sadd.s32 $0x1, s23  }
0x39: {  	s25 =	simm.s32 @!p0 $0x0;
	s28 =	sadd.s32 s24, s20;
	_ =	swait.ge [sflag:s21], $0x4000  }
0x3a: {  	s30 =	sshll.u32 s25, $0xE;
	s22 =	sand.u32 $0x1, s19;
	v2 =	vmov s28;
	[sflag:s21] =	ssyncset.done $0x0  }
0x3b: {  	s25 =	sadd.s32 $0x15020, s30;
	s26 =	sor.u32 @!p1 $0x6, s22;
	[sflag:s21] =	ssyncadd.s32 $0xFFFFC000  }
0x3c: {  	v1 =	vmov s25;
	s25 =	simm.s32 $0x0;
	s23 =	sshll.u32 s23, $0xE;
	_ =	swait.ge @!p1 [sflag:s26], $0x4000  }
0x3d: {  	s31 =	sshll.u32 s22, $0xE;
	s24 =	sor.u32 $0x1000, s23;
	[sflag:s26] =	ssyncset.done @!p1 $0x0  }
0x3e: {  	s23 =	sadd.s32 $0x15000, s31;
	[sflag:s26] =	ssyncadd.s32 @!p1 $0xFFFFC000;
	s26 =	simm.s32 $0x200  }
.LBB2_5:
0x3f: {  	p1 =	sne.s32 s26, $0xFE00;
	v3 =	vld.idx.msk [tilespmem:v2+s25+$0x0 ss:$0x1], $0xffff;
	_ =	sdelay $0x5  }
0x40: {  	[tilespmem:v1+s25+$0xFFFFFFE0 ss:$0x1] =	vst.idx.msk $0xffff, v3  }
0x41: {  	v3 =	vld.idx.msk [tilespmem:v2+s25+$0x10 ss:$0x1], $0xffff;
	_ =	sdelay $0x5  }
0x42: {  	[tilespmem:v1+s25+$0xFFFFFFF0 ss:$0x1] =	vst.idx.msk $0xffff, v3  }
0x43: {  	v3 =	vld.idx.msk [tilespmem:v2+s25+$0x20 ss:$0x1], $0xffff;
	_ =	sdelay $0x5  }
0x44: {  	[tilespmem:v1+s25+$0x0 ss:$0x1] =	vst.idx.msk $0xffff, v3  }
0x45: {  	v3 =	vld.idx.msk [tilespmem:v2+s25+$0x30 ss:$0x1], $0xffff;
	_ =	sdelay $0x1  }
.Ltmp1:
0x46: {  	(pc) =	sbr.rel @p1 .LBB2_5-.Ltmp1, $2  }
0x47: {  	_ =	sdelay $0x2  }
0x48: {  	[tilespmem:v1+s25+$0x10 ss:$0x1] =	vst.idx.msk $0xffff, v3;
	s25 =	sshra.s32 s26, $0x2;
	s26 =	sadd.s32 $0x200, s26  }
0x49: {  	_ =	sdelay $0x3  }
0x4a: {  	v3 =	vld.idx.msk [tilespmem:v2+s25+$0x0 ss:$0x1], $0xffff;
	_ =	sdelay $0x4  }
0x4b: {  	[tilespmem:v1+s25+$0xFFFFFFE0 ss:$0x1] =	vst.idx.msk $0xffff, v3  }
0x4c: {  	v3 =	vld.idx.msk [tilespmem:v2+s25+$0x10 ss:$0x1], $0xffff;
	_ =	sdelay $0x4  }
0x4d: {  	[tilespmem:v1+s25+$0xFFFFFFF0 ss:$0x1] =	vst.idx.msk $0xffff, v3  }
0x4e: {  	v3 =	vld.idx.msk [tilespmem:v2+s25+$0x20 ss:$0x1], $0xffff;
	_ =	sdelay $0x4  }
0x4f: {  	[tilespmem:v1+s25+$0x0 ss:$0x1] =	vst.idx.msk $0xffff, v3  }
0x50: {  	v2 =	vld.idx.msk [tilespmem:v2+s25+$0x30 ss:$0x1], $0xffff;
	_ =	sdelay $0x1  }
0x51: {  	p1 =	sgt.u32 s19, $0x1A  }
0x52: {  	s26 =	sshll.u32 @!p1 s19, $0x7  }
0x53: {  	s31 =	sshll.u32 s19, $0xB;
	s26 =	sand.u32 @!p1 $0x3FFFFF80, s26  }
0x54: {  	s19 =	sadd.s32 $0x1, s19;
	[tilespmem:v1+s25+$0x10 ss:$0x1] =	vst.idx.msk $0xffff, v2;
	s25 =	sadd.s32 @!p1 $0x280, s26;
	s26 =	simm.s32 @!p1 $0x80  }
0x55: {  	[tilespmem:s24], [sflag:s21] =	stream.indirect.gather @!p1 [hbm4b:s3+s26], $0x80, s25, s26, $0xb8;
	[tilespmem:$0x1D000] =	vst v63  }
0x56: {  	p1 =	sne.s32 s19, $0x20  }
.Ltmp2:
0x57: {  	_ = 	snop;
	(pc) =	sbr.rel @p1 .LBB2_4-.Ltmp2, $4  }
0x58: {  	_ = 	snop  }
0x59: {  	s22 =	sor.u32 $0x6, s22  }
0x5a: {  	s20 =	sadd.s32 $0x4000, s20;
	p0 =	por !p0, !p0;
	s21 =	sadd.s32 s31, s5  }
0x5b: {  	[hbm4b:s21+s2] =	stream.linear.scatter [tilespmem:s23], [sflag:s22], $0x4000, $0x38;
	[tilespmem:$0x1D000] =	vst v63  }
0x5c: {  	s18 =	sadd.s32 $0x1, s18  }
0x5d: {  	_ =	swait.ge [sflag:s16], $0x4000;
	p0 =	sne.s32 s18, s6  }
.Ltmp3:
0x5e: {  	[sflag:s16] =	ssyncset.done $0x0;
	(pc) =	sbr.rel @p0 .LBB2_1-.Ltmp3, $4  }
0x5f: {  	[sflag:s16] =	ssyncadd.s32 $0xFFFFC000  }
0x60: {  	_ =	swait.ge [sflag:s17], $0x4000  }
0x61: {  	[sflag:s17] =	ssyncset.done $0x0  }
0x62: {  	[sflag:s17] =	ssyncadd.s32 $0xFFFFC000  }
0x63: {  	_ =	sfence.sel $0x180000  }
0x64: {  	[bflag:$0x0] =	sbarrier.arrive $0xFFFF  }
0x65: {  	p0 =	sne.s32 s1, $0x0;
	_ =	strace $0x90000047  }
0x66: {  	s0 =	sadd.s32 @!p0 $0x100000, s0;
	[bflag:$0x2] =	sbarrier.arrive $0xFFFF  }
0x67: {  	[sflag:s0] =	ssyncadd.tile.s32 @!p0 $0x1;
	_ =	shalt  }
.Lfunc_end2:
_tile_overlayer_lowered:
.L_overlay_start_2:
0x68: {  	(tag) =	ssettag $0x2  }
0x69: {  	s0 =	rddreg [dreg:$0x0];
	s2 =	stileid.u32  }
0x6a: {  	s1 =	rddreg [dreg:$0x1];
	p0 =	sne.s32 s2, $0x0  }
0x6b: {  	s3 =	rddreg [dreg:$0x2];
	[bflag:$0x3] =	sbarrier.arrive $0xFFFF;
	s2 =	simm.s32 @!p0 $0x1C08  }
0x6c: {  	[timem:s3], [sflag:s2] =	dma.local @!p0 [hbm:s0], s1  }
0x6d: {  	s0 =	simm.s32 @!p0 $0x8  }
0x6e: {  	_ =	swait.ge @!p0 [sflag:s0], s1  }
0x6f: {  	s1 =	ssub.s32 @!p0 $0x0, s1;
	[sflag:s0] =	ssyncset.done @!p0 $0x0  }
0x70: {  	[sflag:s0] =	ssyncadd.s32 @!p0 s1  }
0x71: {  	[bflag:$0x3] =	sbarrier.arrive $0xFFFF  }
0x72: {  	_ =	shalt  }

// kernel: sparse-core-data-format-call.cloned.1.call-start
scs
called_computation_lowered:
.L_overlay_start_0:
0x0: {  	s2 =	sld [smem:$0x3FD9]  }
0x1: {  	s3 =	sld [smem:$0x3FFE];
	_ =	sdelay $0x1  }
0x2: {  	s1 =	srdreg.scid  }
0x3: {  	s0 =	sand.u32 $0x1, s1  }
0x4: {  	s18 =	sshll.u32 s0, $0xA;
	s2 =	sadd.s32 s3, s2  }
0x5: {  	s2 =	sadd.s32 s2, s18  }
0x6: {  	[smem:$0x3FC6] =	sst s2  }
0x7: {  	_ = 	snop  }
0x8: {  	s2 =	sld [smem:$0x3FD0];
	(tm) =	ssettm $0x1  }
0x9: {  	s19 =	sld [smem:$0x3FFB];
	_ =	sdelay $0x3  }
0xa: {  	_ =	strace s19  }
0xb: {  	s3 =	sld [smem:$0x3FFC];
	_ =	sdelay $0x3  }
0xc: {  	_ =	strace s3  }
0xd: {  	s3 =	sld [smem:$0x3FFD];
	_ =	sdelay $0x3  }
0xe: {  	_ =	strace s3  }
0xf: {  	_ =	strace $0x8FFFFFFF  }
0x10: {  	s20 =	sld [smem:$0x3FDB];
	_ =	sdelay $0x1  }
0x11: {  	s4 =	simm.s32 $_scs_section_size  }
0x12: {  	s5 =	simm.s32 $_size__tile_overlayer_lowered;
	s6 =	simm.s32 $_tile_overlayer_lowered  }
0x13: {  	s23 =	simm.s32 $0x1BFF;
	s22 =	sshll.u32 s6, $0x1;
	s3 =	sadd.s32 s4, s20  }
0x14: {  	s7 =	simm.s32 $0x0;
	s21 =	sshll.u32 s5, $0x1;
	s5 =	sadd.s32 s22, s3  }
0x15: {  	[timem:s7], [sflag:s23] =	dma.local [hbm:s5], s21  }
0x16: {  	_ =	swait.ge [sflag:s23], s21  }
0x17: {  	s4 =	ssub.s32 $0x0, s21;
	[sflag:s23] =	ssyncset.done $0x0  }
0x18: {  	[sflag:s23] =	ssyncadd.s32 s4;
	_ =	sdelay $0x1  }
0x19: {  	s24 =	simm.s32 $0x1B8B  }
0x1a: {  	_ =	swait.ge [sflag:s24], $0x1  }
0x1b: {  	[sflag:s24] =	ssyncset.done $0x0  }
0x1c: {  	s26 =	simm.s32 $0x1B8E;
	s25 =	sld [smem:$0x3FFE];
	[sflag:s24] =	ssyncadd.s32 $0xFFFFFFFF  }
0x1d: {  	s27 =	simm.s32 $execute0_lowered;
	[smem:$0x3FD2] =	sst s26  }
0x1e: {  	s5 =	sshll.u32 s27, $0x1;
	_ =	strace $0x80000049;
	[dreg:$0x1] =	wrdreg $0xFFFFFFFF  }
0x1f: {  	s28 =	simm.s32 $_size_execute0_lowered;
	s3 =	sadd.s32 s3, s5;
	[dreg:$0x0] =	wrdreg $0x0  }
0x20: {  	s5 =	sshll.u32 s28, $0x1;
	[dreg:$0x2] =	wrdreg s3  }
0x21: {  	[dreg:$0x3] =	wrdreg s5  }
0x22: {  	[dreg:$0x4] =	wrdreg $0xC0  }
0x23: {  	_ =	task [dreg:s7], $0x5FFFF  }
0x24: {  	[dreg:$0x1] =	wrdreg $0xFFFFFFFF  }
0x25: {  	[dreg:$0x0] =	wrdreg $0x60  }
0x26: {  	[dreg:$0x2] =	wrdreg s25  }
0x27: {  	[dreg:$0x3] =	wrdreg s2  }
0x28: {  	[dreg:$0x4] =	wrdreg $0x9  }
0x29: {  	_ =	task.clear_ibuf [dreg:s7], $0x5FFFF;
	_ =	strace $0x90000049  }
0x2a: {  	s29 =	simm.s32 $0x9;
	_ =	strace $0x8000004B  }
0x2b: {  	_ =	swait.ge [sflag:s29], $0x1  }
0x2c: {  	[sflag:s29] =	ssyncadd.s32 $0xFFFFFFFF  }
0x2d: {  	_ =	strace $0x9000004B  }
0x2e: {  	_ =	sfence  }
0x2f: {  	s30 =	sld [smem:$0x0];
	_ =	sdelay $0x2  }
0x30: {  	s31 =	sshll.u32 s1, $0xD;
	s1 =	sshrl.u32 s1, $0x2  }
0x31: {  	s3 =	sand.u32 $0x4000, s31;
	s1 =	sadd.s32 s1, s30  }
0x32: {  	s0 =	sor.u32 s3, s0;
	s1 =	sshll.u32 s1, $0x11  }
0x33: {  	s0 =	sor.u32 s1, s0  }
0x34: {  	s0 =	sadd.s32 $0x8F2B, s0  }
0x35: {  	[sflag:s0] =	ssyncadd.remote.s32 $0x1  }
0x36: {  	_ =	sfence.sel $0xFFFF  }
0x37: {  	[dreg:$0x0] =	wrdreg $0xFFFFFFFF;
	(pc) =	sbr.abs _section_cstart, $3  }
0x38: {  	[dreg:$0x1] =	wrdreg $0xFFFFFFFF  }
0x39: {  	_ =	task.clear_ibuf [dreg:s7], $0x2FFFF;
	_ =	strace $0x9FFFFFFF  }
0x3a: {  	(tm) =	ssettm $0x7FFFFFFF  }
0x3b: {  	_ =	shalt  }
tec
execute0_lowered:
.L_overlay_start_1:
0x0: {  	(tag) =	ssettag $0x1  }
0x1: {  	s0 =	stileid.u32;
	s4 =	rddreg [dreg:$0x0]  }
0x2: {  	s1 =	srdreg.scid;
	s3 =	rddreg [dreg:$0x1];
	s7 =	simm.s32 $0x1  }
0x3: {  	s31 =	simm.s32 $0x2;
	s2 =	sshll.u32 s0, $0x5;
	s1 =	sshll.u32 s1, $0x9  }
0x4: {  	s14 =	simm.s32 $0x0;
	s9 =	simm.s32 $0x8000;
	s1 =	sor.u32 s2, s1  }
0x5: {  	s15 =	simm.s32 $0x0;
	s16 =	simm.s32 $0x0;
	s2 =	sand.u32 $0x380, s1  }
0x6: {  	s10 =	simm.s32 $0x0;
	s13 =	simm.s32 $0x0;
	s5 =	ssub.s32 $0x1000, s2  }
0x7: {  	s4 =	sadd.s32 $0xA00, s4;
	s1 =	rddreg [dreg:$0x2];
	s6 =	sand.u32 $0x380, s5  }
.Ltmp0:
0x8: {  	_ =	strace $0x8000004A;
	p0 =	sne.s32 s6, $0x0;
	(pc) =	sbr.rel .LBB1_1-.Ltmp0, $4  }
0x9: {  	s11 =	smov.u32 s2;
	s8 =	sshrl.u32 s5, $0xA;
	s7 =	simm.s32 @!p0 $0x0  }
0xa: {  	s5 =	sand.u32 $0x3, s0;
	s6 =	simm.s32 $0x1;
	s7 =	sadd.s32 s7, s8  }
0xb: {  	s12 =	smov.u32 s5;
	[sflag:s6] =	ssyncpa.u1 $0x0;
	s7 =	sshll.u32 s7, $0x3  }
0xc: {  	p0 =	por $0x0, $0x0;
	[sflag:s31] =	ssyncpa.u1 $0x0;
	s8 =	sor.u32 $0x1, s7  }
.LBB1_4:
0xd: {  	s19 =	sshll.u32 s15, $0x3  }
0xe: {  	s20 =	sand.u32 $0x78, s15;
	s16 =	sshll.u32 s16, $0x12;
	s30 =	sand.u32 $0x7E00, s15  }
0xf: {  	s14 =	sshll.u32 s14, $0xF;
	s19 =	sand.u32 $0xC00, s19;
	s16 =	sadd.s32 s3, s16  }
0x10: {  	[tilespmem:s18+$0x810 ss:$0x81] =	vst.msk $0xffff, v2;
	s31 =	sand.u32 $0x7, s15;
	s19 =	sor.u32 s20, s19;
	s16 =	sadd.s32 s30, s16  }
0x11: {  	[tilespmem:s18+$0x1020 ss:$0x81] =	vst.msk $0xffff, v0;
	s15 =	sshll.u32 s31, $0x12;
	s19 =	sshrl.u32 s19, $0x3;
	s14 =	sadd.s32 s14, s16  }
0x12: {  	[tilespmem:s18+$0x0 ss:$0x81] =	vst.msk $0xffff, v1;
	s15 =	sor.u32 $0x400, s15;
	s14 =	sadd.s32 s19, s14  }
0x13: {  	[hbm4b:s14+s15] =	stream.strided.scatter [tilespmem:s17], [sflag:$0x2], $0x2000, s9, s15, $0x20;
	[tilespmem:$0x8080] =	vst v63  }
.LBB1_5:
0x14: {  	s17 =	sadd.s32 $0x1, s10  }
0x15: {  	s14 =	sadd.s32 $0x400, s11;
	s18 =	smov.u32 s11;
	p2 =	sgt.s32 s17, $0x7  }
0x16: {  	s18 =	smov.u32 @p2 s14  }
0x17: {  	s20 =	smov.u32 s12;
	s14 =	sadd.s32 $0x4, s12;
	p3 =	sgt.s32 s18, $0xFFF  }
0x18: {  	s20 =	smov.u32 @p3 s14  }
0x19: {  	s17 =	simm.s32 @p2 $0x0;
	p2 =	sgt.s32 s20, $0x3  }
0x1a: {  	p1 =	slt.u32 s13, $0x2;
	s20 =	smov.u32 @p2 s5;
	p2 =	sne.s32 s13, s8  }
.Ltmp1:
0x1b: {  	s19 =	simm.s32 @!p1 $0x2;
	(pc) =	sbr.rel @!p2 .LBB1_6-.Ltmp1, $4  }
0x1c: {  	s15 =	smov.u32 s11;
	s16 =	smov.u32 s12;
	_ =	swait.ge @!p1 [sflag:s19], $0x2000  }
0x1d: {  	p0 =	por !p0, !p0;
	[sflag:s19] =	ssyncset.done @!p1 $0x0;
	s18 =	smov.u32 @p3 s2  }
0x1e: {  	s14 =	smov.u32 s10;
	[sflag:s19] =	ssyncadd.s32 @!p1 $0xFFFFE000;
	s10 =	smov.u32 s17  }
0x1f: {  	s11 =	smov.u32 s18;
	s13 =	sadd.s32 $0x1, s13;
	s12 =	smov.u32 s20  }
.LBB1_1:
0x20: {  	p1 =	sge.u32 s13, s7;
	s31 =	sadd.s32 $0xFFFFFFFF, s13  }
0x21: {  	s17 =	sxor.u32 @!p1 $0xFFFFFFFF, s13;
	s18 =	sshll.u32 @!p1 s12, $0x13;
	s19 =	sshll.u32 @!p1 s11, $0x7  }
0x22: {  	s20 =	sshll.u32 @!p1 s10, $0x4;
	s17 =	sshll.u32 @!p1 s17, $0xD;
	s18 =	sadd.s32 @!p1 s4, s18  }
0x23: {  	s20 =	sand.u32 @!p1 $0x70, s20;
	s17 =	sand.u32 @!p1 $0x2000, s17;
	s18 =	sadd.s32 @!p1 s19, s18  }
0x24: {  	s19 =	simm.s32 @!p1 $0x40;
	s18 =	sadd.s32 @!p1 s20, s18;
	s20 =	simm.s32 @!p1 $0x400  }
0x25: {  	[tilespmem:s17], [sflag:$0x1] =	stream.strided.gather @!p1 [hbm4b:s18+s19], $0x2000, s20, s19, $0x38;
	[tilespmem:$0x8080] =	vst v63  }
0x26: {  	p1 =	sge.u32 s31, s7  }
.Ltmp2:
0x27: {  	_ = 	snop;
	(pc) =	sbr.rel @p1 .LBB1_5-.Ltmp2, $1  }
0x28: {  	_ =	sdelay $0x3  }
0x29: {  	s17 =	simm.s32 $0x1  }
0x2a: {  	_ =	swait.ge [sflag:s6], $0x2000;
	s17 =	simm.s32 @!p0 $0x0  }
0x2b: {  	[sflag:s6] =	ssyncset.done $0x0;
	s18 =	sshll.u32 s17, $0xD  }
0x2c: {  	[sflag:s6] =	ssyncadd.s32 $0xFFFFE000;
	s21 =	sor.u32 $0x20, s18  }
0x2d: {  	s17 =	smul.u32 $0x8100, s17;
	v3 =	vld [tilespmem:s21+$0x10]  }
0x2e: {  	s30 =	sand.u32 $0x1, s13;
	v2 =	vld [tilespmem:s21+$0xFFFFFFF0]  }
0x2f: {  	s18 =	smul.u32 $0x8100, s30;
	s17 =	sshrl.u32 s17, $0x2;
	v0 =	vld [tilespmem:s21+$0x0]  }
0x30: {  	v1 =	vld [tilespmem:s21+$0xFFFFFFE0];
	s19 =	sor.u32 $0x4000, s17  }
0x31: {  	s31 =	sshrl.u32 s18, $0x2;
	s18 =	sadd.s32 $0x0, s19  }
0x32: {  	s20 =	simm.s32 $0x4;
	s21 =	sadd.s32 $0x40, s21;
	s17 =	sor.u32 $0x4000, s31;
	[tilespmem:s18+$0x1830 ss:$0x81] =	vst.msk $0xffff, v3  }
.LBB1_3:
0x33: {  	v3 =	vld [tilespmem:s21+$0x10];
	p1 =	sne.s32 s20, $0x1FC;
	[tilespmem:s18+$0x810 ss:$0x81] =	vst.msk $0xffff, v2;
	s22 =	smov.u32 s20;
	s20 =	sadd.s32 $0x4, s20  }
.Ltmp3:
0x34: {  	v2 =	vld [tilespmem:s21+$0xFFFFFFF0];
	[tilespmem:s18+$0x1020 ss:$0x81] =	vst.msk $0xffff, v0;
	(pc) =	sbr.rel @p1 .LBB1_3-.Ltmp3, $4  }
0x35: {  	v0 =	vld [tilespmem:s21+$0x0];
	[tilespmem:s18+$0x0 ss:$0x81] =	vst.msk $0xffff, v1  }
0x36: {  	s18 =	sshra.s32 s22, $0x2;
	v1 =	vld [tilespmem:s21+$0xFFFFFFE0]  }
0x37: {  	s18 =	sadd.s32 s18, s19  }
0x38: {  	s21 =	sadd.s32 $0x40, s21;
	[tilespmem:s18+$0x1830 ss:$0x81] =	vst.msk $0xffff, v3  }
.Ltmp4:
0x39: {  	_ = 	snop;
	(pc) =	sbr.rel .LBB1_4-.Ltmp4, $1  }
0x3a: {  	_ =	sdelay $0x3  }
.LBB1_6:
0x3b: {  	_ =	sfence.sel $0x180000  }
0x3c: {  	s2 =	simm.s32 $0x1;
	[bflag:$0x0] =	sbarrier.arrive $0xFFFF  }
0x3d: {  	s31 =	simm.s32 $0x2;
	[sflag:s2] =	ssyncpa.u1 $0x1  }
0x3e: {  	[sflag:s31] =	ssyncpa.u1 $0x1  }
0x3f: {  	p0 =	sne.s32 s0, $0x0;
	_ =	strace $0x9000004A  }
0x40: {  	s0 =	sadd.s32 @!p0 $0x100000, s1;
	[bflag:$0x2] =	sbarrier.arrive $0xFFFF  }
0x41: {  	[sflag:s0] =	ssyncadd.tile.s32 @!p0 $0x1;
	_ =	shalt  }
.Lfunc_end1:
_tile_overlayer_lowered:
.L_overlay_start_2:
0x42: {  	(tag) =	ssettag $0x2  }
0x43: {  	s0 =	rddreg [dreg:$0x0];
	s2 =	stileid.u32  }
0x44: {  	s1 =	rddreg [dreg:$0x1];
	p0 =	sne.s32 s2, $0x0  }
0x45: {  	s3 =	rddreg [dreg:$0x2];
	[bflag:$0x3] =	sbarrier.arrive $0xFFFF;
	s2 =	simm.s32 @!p0 $0x1C01  }
0x46: {  	[timem:s3], [sflag:s2] =	dma.local @!p0 [hbm:s0], s1  }
0x47: {  	s0 =	simm.s32 @!p0 $0x1  }
0x48: {  	_ =	swait.ge @!p0 [sflag:s0], s1  }
0x49: {  	s1 =	ssub.s32 @!p0 $0x0, s1;
	[sflag:s0] =	ssyncset.done @!p0 $0x0  }
0x4a: {  	[sflag:s0] =	ssyncadd.s32 @!p0 s1  }
0x4b: {  	[bflag:$0x3] =	sbarrier.arrive $0xFFFF  }
0x4c: {  	_ =	shalt  }

</sc_bundles>
